<compile_context>
chip_gen: v7x
topology: tpu7x:2x2x1
jax: 0.10.2.dev20260603
libtpu: 0.0.44.dev20260713+nightly
codegen_flags: <defaults>
</compile_context>

<pallas_src>
import functools

import jax
import jax.numpy as jnp
from jax import lax
from jax.experimental import pallas as pl
from jax.experimental.pallas import tpu as pltpu
from jax.experimental.pallas import tpu_sc as plsc

M, D, B = 100000, 64, 16384
LANES = 16
NW = 32
CHUNK = 8192
NC = 32
MP = 100096


def _scatter_half(c0, idxT_hbm, srcT_hbm, delta_hbm, acc_v, idx_v, src_v):
    wid = lax.axis_index("s") * 2 + lax.axis_index("c")
    j = c0 + wid
    zeros16 = jnp.zeros((LANES,), jnp.float32)

    def zero_body(i, carry):
        acc_v[pl.ds(i * LANES, LANES)] = zeros16
        return carry

    def scat_body(k, carry):
        iv = idx_v[pl.ds(k * LANES, LANES)]
        sv = src_v[pl.ds(k * LANES, LANES)]
        plsc.addupdate_scatter(acc_v, [iv], sv)
        return carry

    lax.fori_loop(0, M // LANES, zero_body, 0, unroll=25)
    for c in range(B // CHUNK):
        off = j * B + c * CHUNK
        pltpu.sync_copy(idxT_hbm.at[pl.ds(off, CHUNK)], idx_v)
        pltpu.sync_copy(srcT_hbm.at[pl.ds(off, CHUNK)], src_v)
        lax.fori_loop(0, CHUNK // LANES, scat_body, 0, unroll=8)
    pltpu.sync_copy(acc_v, delta_hbm.at[pl.ds(wid * MP, M)])


RG = 8


def _addt_core(xT_ref, delta_ref, oT_ref, acc_ref, sem):
    j = pl.program_id(0)
    copies = [
        pltpu.make_async_copy(
            delta_ref.at[pl.ds((j * RG + r) * MP, MP)], acc_ref.at[r], sem)
        for r in range(RG)
    ]
    for cp in copies:
        cp.start()
    for cp in copies:
        cp.wait()
    oT_ref[...] = xT_ref[...] + acc_ref[:, :M]


def _addt_a(xT_ref, delta_ref, oT_ref, acc_ref, sem):
    _addt_core(xT_ref, delta_ref, oT_ref, acc_ref, sem)


def _addt_b(xT_ref, delta_ref, prev_ref, oT_ref, acc_ref, sem):
    del prev_ref
    _addt_core(xT_ref, delta_ref, oT_ref, acc_ref, sem)


def kernel(x, index, src):
    index = index.astype(jnp.int32)
    idxT = jnp.transpose(index).reshape(D * B)
    srcT = jnp.transpose(src).reshape(D * B)

    def sc_half(c0):
        return pl.kernel(
            functools.partial(_scatter_half, c0),
            mesh=plsc.VectorSubcoreMesh(
                core_axis_name="c", subcore_axis_name="s"),
            out_type=jax.ShapeDtypeStruct((NC * MP,), jnp.float32),
            scratch_types=[
                pltpu.VMEM((M,), jnp.float32),
                pltpu.VMEM((CHUNK,), jnp.int32),
                pltpu.VMEM((CHUNK,), jnp.float32),
            ],
            compiler_params=pltpu.CompilerParams(needs_layout_passes=False),
        )(idxT, srcT)

    delta_a = sc_half(0)
    delta_b = sc_half(NC)
    xT = jnp.transpose(x)

    add_scratch = [
        pltpu.VMEM((RG, MP), jnp.float32),
        pltpu.SemaphoreType.DMA,
    ]
    half_grid = (NC // RG,)
    out0 = pl.pallas_call(
        _addt_a,
        grid=half_grid,
        in_specs=[
            pl.BlockSpec((RG, M), lambda j: (j, 0)),
            pl.BlockSpec(memory_space=pl.ANY),
        ],
        out_specs=pl.BlockSpec((RG, M), lambda j: (j, 0)),
        out_shape=jax.ShapeDtypeStruct((D, M), jnp.float32),
        scratch_shapes=add_scratch,
    )(xT, delta_a)
    outT = pl.pallas_call(
        _addt_b,
        grid=half_grid,
        in_specs=[
            pl.BlockSpec((RG, M), lambda j: (j + NC // RG, 0)),
            pl.BlockSpec(memory_space=pl.ANY),
            pl.BlockSpec(memory_space=pl.ANY),
        ],
        out_specs=pl.BlockSpec((RG, M), lambda j: (j + NC // RG, 0)),
        out_shape=jax.ShapeDtypeStruct((D, M), jnp.float32),
        input_output_aliases={2: 0},
        scratch_shapes=add_scratch,
    )(xT, delta_b, out0)
    return jnp.transpose(outT)

# --- scband reference (transcript-rebuilt; emitter-appended) ---
"""Pipeline reference for scband-torch-ops-aten-scatter-reduce-out-module-66236985639595 (READ-ONLY COPY).

The authoritative reference and input builder live on the scoring server;
editing this copy changes nothing except your own understanding.
"""

import jax, jax.numpy as jnp
import numpy as np

M, D, B = 100000, 64, 16384

def setup_inputs(seed: int = 0) -> dict:
    key = jax.random.key(seed)
    k1, k2, k3 = jax.random.split(key, 3)
    x = jax.random.normal(k1, (M, D), dtype=jnp.float32)
    index = jax.random.randint(k2, (B, D), 0, M)
    src = jax.random.normal(k3, (B, D), dtype=jnp.float32)
    return {"x": x, "index": index, "src": src}

def reference(x, index, src):
    # aten.scatter.reduce_out(x, dim=0, index, src, reduce='add', out=out):
    # out[index[i, j], j] += src[i, j] applied on a copy of x along dim 0.
    cols = jnp.broadcast_to(jnp.arange(x.shape[1]), index.shape)
    out = x.at[index, cols].add(src)
    return out

if __name__ == "__main__":
    import jax
    _d = setup_inputs()
    print(jax.jit(kernel)(*tuple(_d.values())))

</pallas_src>

<mosaic_0001>
#map = affine_map<(d0, d1) -> (0)>
module attributes {stable_mosaic.version = 14 : i64} {
  func.func @_scatter_half(%arg0: i32, %arg1: i32, %arg2: memref<1048576xi32, #tpu.memory_space<hbm>>, %arg3: memref<1048576xf32, #tpu.memory_space<hbm>>, %arg4: memref<3203072xf32, #tpu.memory_space<hbm>>, %arg5: memref<100000xf32, #tpu.memory_space<vmem>>, %arg6: memref<8192xi32, #tpu.memory_space<vmem>>, %arg7: memref<8192xf32, #tpu.memory_space<vmem>>) attributes {dimension_semantics = [#tpu.dimension_semantics<core_parallel>, #tpu.dimension_semantics<subcore_parallel>], iteration_bounds = array<i64: 2, 16>, scalar_prefetch = 0 : i64, scratch_operands = 3 : i64, tpu.core_type = #tpu.core_type<sc_vector_subcore>, window_params = [{transform_indices = #map}, {transform_indices = #map}, {transform_indices = #map}]} {
    %mul3A = arith.constant 2 : i32
    %mul3A_0 = arith.muli %arg1, %mul3A : i32
    %add3A = arith.addi %mul3A_0, %arg0 : i32
    %add3A_1 = arith.constant 32 : i32
    %add3A_2 = arith.addi %add3A_1, %add3A : i32
    %broadcast_in_dim3A = arith.constant 0.000000e+00 : f32
    %broadcast_in_dim3A_3 = vector.broadcast %broadcast_in_dim3A : f32 to vector<16xf32>
    %scan3A = arith.constant 0 : i32
    %scan3A_4 = arith.constant 0 : i32
    %scan3A_5 = arith.constant 6250 : i32
    %scan3A_6 = arith.addi %scan3A_4, %scan3A_5 : i32
    %scan3A_7 = arith.constant 25 : i32
    scf.for %scan3A_31 = %scan3A_4 to %scan3A_6 step %scan3A_7  : i32 {
      %mul3A_32 = arith.constant 16 : i32
      %mul3A_33 = arith.muli %scan3A_31, %mul3A_32 : i32
      %swap3A = arith.index_cast %mul3A_33 : i32 to index
      %swap3A_34 = tpu.vector_load %arg5[%swap3A] {strides = array<i32>} : memref<100000xf32, #tpu.memory_space<vmem>>, vector<16xf32>,
      tpu.vector_store %arg5[%swap3A], %broadcast_in_dim3A_3 {strides = array<i32>} : memref<100000xf32, #tpu.memory_space<vmem>>, vector<16xf32>,
      %scan3A_35 = arith.constant 1 : i32
      %scan3A_36 = arith.addi %scan3A_31, %scan3A_35 : i32
      %mul3A_37 = arith.constant 16 : i32
      %mul3A_38 = arith.muli %scan3A_36, %mul3A_37 : i32
      %swap3A_39 = arith.index_cast %mul3A_38 : i32 to index
      %swap3A_40 = tpu.vector_load %arg5[%swap3A_39] {strides = array<i32>} : memref<100000xf32, #tpu.memory_space<vmem>>, vector<16xf32>,
      tpu.vector_store %arg5[%swap3A_39], %broadcast_in_dim3A_3 {strides = array<i32>} : memref<100000xf32, #tpu.memory_space<vmem>>, vector<16xf32>,
      %scan3A_41 = arith.constant 2 : i32
      %scan3A_42 = arith.addi %scan3A_31, %scan3A_41 : i32
      %mul3A_43 = arith.constant 16 : i32
      %mul3A_44 = arith.muli %scan3A_42, %mul3A_43 : i32
      %swap3A_45 = arith.index_cast %mul3A_44 : i32 to index
      %swap3A_46 = tpu.vector_load %arg5[%swap3A_45] {strides = array<i32>} : memref<100000xf32, #tpu.memory_space<vmem>>, vector<16xf32>,
      tpu.vector_store %arg5[%swap3A_45], %broadcast_in_dim3A_3 {strides = array<i32>} : memref<100000xf32, #tpu.memory_space<vmem>>, vector<16xf32>,
      %scan3A_47 = arith.constant 3 : i32
      %scan3A_48 = arith.addi %scan3A_31, %scan3A_47 : i32
      %mul3A_49 = arith.constant 16 : i32
      %mul3A_50 = arith.muli %scan3A_48, %mul3A_49 : i32
      %swap3A_51 = arith.index_cast %mul3A_50 : i32 to index
      %swap3A_52 = tpu.vector_load %arg5[%swap3A_51] {strides = array<i32>} : memref<100000xf32, #tpu.memory_space<vmem>>, vector<16xf32>,
      tpu.vector_store %arg5[%swap3A_51], %broadcast_in_dim3A_3 {strides = array<i32>} : memref<100000xf32, #tpu.memory_space<vmem>>, vector<16xf32>,
      %scan3A_53 = arith.constant 4 : i32
      %scan3A_54 = arith.addi %scan3A_31, %scan3A_53 : i32
      %mul3A_55 = arith.constant 16 : i32
      %mul3A_56 = arith.muli %scan3A_54, %mul3A_55 : i32
      %swap3A_57 = arith.index_cast %mul3A_56 : i32 to index
      %swap3A_58 = tpu.vector_load %arg5[%swap3A_57] {strides = array<i32>} : memref<100000xf32, #tpu.memory_space<vmem>>, vector<16xf32>,
      tpu.vector_store %arg5[%swap3A_57], %broadcast_in_dim3A_3 {strides = array<i32>} : memref<100000xf32, #tpu.memory_space<vmem>>, vector<16xf32>,
      %scan3A_59 = arith.constant 5 : i32
      %scan3A_60 = arith.addi %scan3A_31, %scan3A_59 : i32
      %mul3A_61 = arith.constant 16 : i32
      %mul3A_62 = arith.muli %scan3A_60, %mul3A_61 : i32
      %swap3A_63 = arith.index_cast %mul3A_62 : i32 to index
      %swap3A_64 = tpu.vector_load %arg5[%swap3A_63] {strides = array<i32>} : memref<100000xf32, #tpu.memory_space<vmem>>, vector<16xf32>,
      tpu.vector_store %arg5[%swap3A_63], %broadcast_in_dim3A_3 {strides = array<i32>} : memref<100000xf32, #tpu.memory_space<vmem>>, vector<16xf32>,
      %scan3A_65 = arith.constant 6 : i32
      %scan3A_66 = arith.addi %scan3A_31, %scan3A_65 : i32
      %mul3A_67 = arith.constant 16 : i32
      %mul3A_68 = arith.muli %scan3A_66, %mul3A_67 : i32
      %swap3A_69 = arith.index_cast %mul3A_68 : i32 to index
      %swap3A_70 = tpu.vector_load %arg5[%swap3A_69] {strides = array<i32>} : memref<100000xf32, #tpu.memory_space<vmem>>, vector<16xf32>,
      tpu.vector_store %arg5[%swap3A_69], %broadcast_in_dim3A_3 {strides = array<i32>} : memref<100000xf32, #tpu.memory_space<vmem>>, vector<16xf32>,
      %scan3A_71 = arith.constant 7 : i32
      %scan3A_72 = arith.addi %scan3A_31, %scan3A_71 : i32
      %mul3A_73 = arith.constant 16 : i32
      %mul3A_74 = arith.muli %scan3A_72, %mul3A_73 : i32
      %swap3A_75 = arith.index_cast %mul3A_74 : i32 to index
      %swap3A_76 = tpu.vector_load %arg5[%swap3A_75] {strides = array<i32>} : memref<100000xf32, #tpu.memory_space<vmem>>, vector<16xf32>,
      tpu.vector_store %arg5[%swap3A_75], %broadcast_in_dim3A_3 {strides = array<i32>} : memref<100000xf32, #tpu.memory_space<vmem>>, vector<16xf32>,
      %scan3A_77 = arith.constant 8 : i32
      %scan3A_78 = arith.addi %scan3A_31, %scan3A_77 : i32
      %mul3A_79 = arith.constant 16 : i32
      %mul3A_80 = arith.muli %scan3A_78, %mul3A_79 : i32
      %swap3A_81 = arith.index_cast %mul3A_80 : i32 to index
      %swap3A_82 = tpu.vector_load %arg5[%swap3A_81] {strides = array<i32>} : memref<100000xf32, #tpu.memory_space<vmem>>, vector<16xf32>,
      tpu.vector_store %arg5[%swap3A_81], %broadcast_in_dim3A_3 {strides = array<i32>} : memref<100000xf32, #tpu.memory_space<vmem>>, vector<16xf32>,
      %scan3A_83 = arith.constant 9 : i32
      %scan3A_84 = arith.addi %scan3A_31, %scan3A_83 : i32
      %mul3A_85 = arith.constant 16 : i32
      %mul3A_86 = arith.muli %scan3A_84, %mul3A_85 : i32
      %swap3A_87 = arith.index_cast %mul3A_86 : i32 to index
      %swap3A_88 = tpu.vector_load %arg5[%swap3A_87] {strides = array<i32>} : memref<100000xf32, #tpu.memory_space<vmem>>, vector<16xf32>,
      tpu.vector_store %arg5[%swap3A_87], %broadcast_in_dim3A_3 {strides = array<i32>} : memref<100000xf32, #tpu.memory_space<vmem>>, vector<16xf32>,
      %scan3A_89 = arith.constant 10 : i32
      %scan3A_90 = arith.addi %scan3A_31, %scan3A_89 : i32
      %mul3A_91 = arith.constant 16 : i32
      %mul3A_92 = arith.muli %scan3A_90, %mul3A_91 : i32
      %swap3A_93 = arith.index_cast %mul3A_92 : i32 to index
      %swap3A_94 = tpu.vector_load %arg5[%swap3A_93] {strides = array<i32>} : memref<100000xf32, #tpu.memory_space<vmem>>, vector<16xf32>,
      tpu.vector_store %arg5[%swap3A_93], %broadcast_in_dim3A_3 {strides = array<i32>} : memref<100000xf32, #tpu.memory_space<vmem>>, vector<16xf32>,
      %scan3A_95 = arith.constant 11 : i32
      %scan3A_96 = arith.addi %scan3A_31, %scan3A_95 : i32
      %mul3A_97 = arith.constant 16 : i32
      %mul3A_98 = arith.muli %scan3A_96, %mul3A_97 : i32
      %swap3A_99 = arith.index_cast %mul3A_98 : i32 to index
      %swap3A_100 = tpu.vector_load %arg5[%swap3A_99] {strides = array<i32>} : memref<100000xf32, #tpu.memory_space<vmem>>, vector<16xf32>,
      tpu.vector_store %arg5[%swap3A_99], %broadcast_in_dim3A_3 {strides = array<i32>} : memref<100000xf32, #tpu.memory_space<vmem>>, vector<16xf32>,
      %scan3A_101 = arith.constant 12 : i32
      %scan3A_102 = arith.addi %scan3A_31, %scan3A_101 : i32
      %mul3A_103 = arith.constant 16 : i32
      %mul3A_104 = arith.muli %scan3A_102, %mul3A_103 : i32
      %swap3A_105 = arith.index_cast %mul3A_104 : i32 to index
      %swap3A_106 = tpu.vector_load %arg5[%swap3A_105] {strides = array<i32>} : memref<100000xf32, #tpu.memory_space<vmem>>, vector<16xf32>,
      tpu.vector_store %arg5[%swap3A_105], %broadcast_in_dim3A_3 {strides = array<i32>} : memref<100000xf32, #tpu.memory_space<vmem>>, vector<16xf32>,
      %scan3A_107 = arith.constant 13 : i32
      %scan3A_108 = arith.addi %scan3A_31, %scan3A_107 : i32
      %mul3A_109 = arith.constant 16 : i32
      %mul3A_110 = arith.muli %scan3A_108, %mul3A_109 : i32
      %swap3A_111 = arith.index_cast %mul3A_110 : i32 to index
      %swap3A_112 = tpu.vector_load %arg5[%swap3A_111] {strides = array<i32>} : memref<100000xf32, #tpu.memory_space<vmem>>, vector<16xf32>,
      tpu.vector_store %arg5[%swap3A_111], %broadcast_in_dim3A_3 {strides = array<i32>} : memref<100000xf32, #tpu.memory_space<vmem>>, vector<16xf32>,
      %scan3A_113 = arith.constant 14 : i32
      %scan3A_114 = arith.addi %scan3A_31, %scan3A_113 : i32
      %mul3A_115 = arith.constant 16 : i32
      %mul3A_116 = arith.muli %scan3A_114, %mul3A_115 : i32
      %swap3A_117 = arith.index_cast %mul3A_116 : i32 to index
      %swap3A_118 = tpu.vector_load %arg5[%swap3A_117] {strides = array<i32>} : memref<100000xf32, #tpu.memory_space<vmem>>, vector<16xf32>,
      tpu.vector_store %arg5[%swap3A_117], %broadcast_in_dim3A_3 {strides = array<i32>} : memref<100000xf32, #tpu.memory_space<vmem>>, vector<16xf32>,
      %scan3A_119 = arith.constant 15 : i32
      %scan3A_120 = arith.addi %scan3A_31, %scan3A_119 : i32
      %mul3A_121 = arith.constant 16 : i32
      %mul3A_122 = arith.muli %scan3A_120, %mul3A_121 : i32
      %swap3A_123 = arith.index_cast %mul3A_122 : i32 to index
      %swap3A_124 = tpu.vector_load %arg5[%swap3A_123] {strides = array<i32>} : memref<100000xf32, #tpu.memory_space<vmem>>, vector<16xf32>,
      tpu.vector_store %arg5[%swap3A_123], %broadcast_in_dim3A_3 {strides = array<i32>} : memref<100000xf32, #tpu.memory_space<vmem>>, vector<16xf32>,
      %scan3A_125 = arith.constant 16 : i32
      %scan3A_126 = arith.addi %scan3A_31, %scan3A_125 : i32
      %mul3A_127 = arith.constant 16 : i32
      %mul3A_128 = arith.muli %scan3A_126, %mul3A_127 : i32
      %swap3A_129 = arith.index_cast %mul3A_128 : i32 to index
      %swap3A_130 = tpu.vector_load %arg5[%swap3A_129] {strides = array<i32>} : memref<100000xf32, #tpu.memory_space<vmem>>, vector<16xf32>,
      tpu.vector_store %arg5[%swap3A_129], %broadcast_in_dim3A_3 {strides = array<i32>} : memref<100000xf32, #tpu.memory_space<vmem>>, vector<16xf32>,
      %scan3A_131 = arith.constant 17 : i32
      %scan3A_132 = arith.addi %scan3A_31, %scan3A_131 : i32
      %mul3A_133 = arith.constant 16 : i32
      %mul3A_134 = arith.muli %scan3A_132, %mul3A_133 : i32
      %swap3A_135 = arith.index_cast %mul3A_134 : i32 to index
      %swap3A_136 = tpu.vector_load %arg5[%swap3A_135] {strides = array<i32>} : memref<100000xf32, #tpu.memory_space<vmem>>, vector<16xf32>,
      tpu.vector_store %arg5[%swap3A_135], %broadcast_in_dim3A_3 {strides = array<i32>} : memref<100000xf32, #tpu.memory_space<vmem>>, vector<16xf32>,
      %scan3A_137 = arith.constant 18 : i32
      %scan3A_138 = arith.addi %scan3A_31, %scan3A_137 : i32
      %mul3A_139 = arith.constant 16 : i32
      %mul3A_140 = arith.muli %scan3A_138, %mul3A_139 : i32
      %swap3A_141 = arith.index_cast %mul3A_140 : i32 to index
      %swap3A_142 = tpu.vector_load %arg5[%swap3A_141] {strides = array<i32>} : memref<100000xf32, #tpu.memory_space<vmem>>, vector<16xf32>,
      tpu.vector_store %arg5[%swap3A_141], %broadcast_in_dim3A_3 {strides = array<i32>} : memref<100000xf32, #tpu.memory_space<vmem>>, vector<16xf32>,
      %scan3A_143 = arith.constant 19 : i32
      %scan3A_144 = arith.addi %scan3A_31, %scan3A_143 : i32
      %mul3A_145 = arith.constant 16 : i32
      %mul3A_146 = arith.muli %scan3A_144, %mul3A_145 : i32
      %swap3A_147 = arith.index_cast %mul3A_146 : i32 to index
      %swap3A_148 = tpu.vector_load %arg5[%swap3A_147] {strides = array<i32>} : memref<100000xf32, #tpu.memory_space<vmem>>, vector<16xf32>,
      tpu.vector_store %arg5[%swap3A_147], %broadcast_in_dim3A_3 {strides = array<i32>} : memref<100000xf32, #tpu.memory_space<vmem>>, vector<16xf32>,
      %scan3A_149 = arith.constant 20 : i32
      %scan3A_150 = arith.addi %scan3A_31, %scan3A_149 : i32
      %mul3A_151 = arith.constant 16 : i32
      %mul3A_152 = arith.muli %scan3A_150, %mul3A_151 : i32
      %swap3A_153 = arith.index_cast %mul3A_152 : i32 to index
      %swap3A_154 = tpu.vector_load %arg5[%swap3A_153] {strides = array<i32>} : memref<100000xf32, #tpu.memory_space<vmem>>, vector<16xf32>,
      tpu.vector_store %arg5[%swap3A_153], %broadcast_in_dim3A_3 {strides = array<i32>} : memref<100000xf32, #tpu.memory_space<vmem>>, vector<16xf32>,
      %scan3A_155 = arith.constant 21 : i32
      %scan3A_156 = arith.addi %scan3A_31, %scan3A_155 : i32
      %mul3A_157 = arith.constant 16 : i32
      %mul3A_158 = arith.muli %scan3A_156, %mul3A_157 : i32
      %swap3A_159 = arith.index_cast %mul3A_158 : i32 to index
      %swap3A_160 = tpu.vector_load %arg5[%swap3A_159] {strides = array<i32>} : memref<100000xf32, #tpu.memory_space<vmem>>, vector<16xf32>,
      tpu.vector_store %arg5[%swap3A_159], %broadcast_in_dim3A_3 {strides = array<i32>} : memref<100000xf32, #tpu.memory_space<vmem>>, vector<16xf32>,
      %scan3A_161 = arith.constant 22 : i32
      %scan3A_162 = arith.addi %scan3A_31, %scan3A_161 : i32
      %mul3A_163 = arith.constant 16 : i32
      %mul3A_164 = arith.muli %scan3A_162, %mul3A_163 : i32
      %swap3A_165 = arith.index_cast %mul3A_164 : i32 to index
      %swap3A_166 = tpu.vector_load %arg5[%swap3A_165] {strides = array<i32>} : memref<100000xf32, #tpu.memory_space<vmem>>, vector<16xf32>,
      tpu.vector_store %arg5[%swap3A_165], %broadcast_in_dim3A_3 {strides = array<i32>} : memref<100000xf32, #tpu.memory_space<vmem>>, vector<16xf32>,
      %scan3A_167 = arith.constant 23 : i32
      %scan3A_168 = arith.addi %scan3A_31, %scan3A_167 : i32
      %mul3A_169 = arith.constant 16 : i32
      %mul3A_170 = arith.muli %scan3A_168, %mul3A_169 : i32
      %swap3A_171 = arith.index_cast %mul3A_170 : i32 to index
      %swap3A_172 = tpu.vector_load %arg5[%swap3A_171] {strides = array<i32>} : memref<100000xf32, #tpu.memory_space<vmem>>, vector<16xf32>,
      tpu.vector_store %arg5[%swap3A_171], %broadcast_in_dim3A_3 {strides = array<i32>} : memref<100000xf32, #tpu.memory_space<vmem>>, vector<16xf32>,
      %scan3A_173 = arith.constant 24 : i32
      %scan3A_174 = arith.addi %scan3A_31, %scan3A_173 : i32
      %mul3A_175 = arith.constant 16 : i32
      %mul3A_176 = arith.muli %scan3A_174, %mul3A_175 : i32
      %swap3A_177 = arith.index_cast %mul3A_176 : i32 to index
      %swap3A_178 = tpu.vector_load %arg5[%swap3A_177] {strides = array<i32>} : memref<100000xf32, #tpu.memory_space<vmem>>, vector<16xf32>,
      tpu.vector_store %arg5[%swap3A_177], %broadcast_in_dim3A_3 {strides = array<i32>} : memref<100000xf32, #tpu.memory_space<vmem>>, vector<16xf32>,
    }
    %scan3A_8 = arith.constant 6250 : i32
    %mul3A_9 = arith.constant 16384 : i32
    %mul3A_10 = arith.muli %add3A_2, %mul3A_9 : i32
    %add3A_11 = arith.constant 0 : i32
    %add3A_12 = arith.addi %mul3A_10, %add3A_11 : i32
    "tpu.region"() ({
      %run_scoped3A = tpu.sem_alloc : memref<!tpu.dma_semaphore, #tpu.memory_space<semaphore_mem>>
      %dma_start3A = tpu.memref_slice %arg2[%add3A_12] : memref<1048576xi32, #tpu.memory_space<hbm>> -> memref<8192xi32, #tpu.memory_space<hbm>>
      %dma_start3A_31 = tpu.memref_slice %arg2[%add3A_12] : memref<1048576xi32, #tpu.memory_space<hbm>> -> memref<8192xi32, #tpu.memory_space<hbm>>
      tpu.enqueue_dma source(%dma_start3A_31 : memref<8192xi32, #tpu.memory_space<hbm>>) target(%arg6 : memref<8192xi32, #tpu.memory_space<vmem>>) target_semaphore(%run_scoped3A : memref<!tpu.dma_semaphore, #tpu.memory_space<semaphore_mem>>)
      %dma_wait3A = tpu.memref_slice %arg2[%add3A_12] : memref<1048576xi32, #tpu.memory_space<hbm>> -> memref<8192xi32, #tpu.memory_space<hbm>>
      %dma_wait3A_32 = tpu.memref_slice %arg2[%add3A_12] : memref<1048576xi32, #tpu.memory_space<hbm>> -> memref<8192xi32, #tpu.memory_space<hbm>>
      tpu.wait_dma2 semaphore(%run_scoped3A : memref<!tpu.dma_semaphore, #tpu.memory_space<semaphore_mem>>) src(%dma_wait3A_32 : memref<8192xi32, #tpu.memory_space<hbm>>) dst(%arg6 : memref<8192xi32, #tpu.memory_space<vmem>>)
      tpu.yield
    }) : () -> ()
    "tpu.region"() ({
      %run_scoped3A = tpu.sem_alloc : memref<!tpu.dma_semaphore, #tpu.memory_space<semaphore_mem>>
      %dma_start3A = tpu.memref_slice %arg3[%add3A_12] : memref<1048576xf32, #tpu.memory_space<hbm>> -> memref<8192xf32, #tpu.memory_space<hbm>>
      %dma_start3A_31 = tpu.memref_slice %arg3[%add3A_12] : memref<1048576xf32, #tpu.memory_space<hbm>> -> memref<8192xf32, #tpu.memory_space<hbm>>
      tpu.enqueue_dma source(%dma_start3A_31 : memref<8192xf32, #tpu.memory_space<hbm>>) target(%arg7 : memref<8192xf32, #tpu.memory_space<vmem>>) target_semaphore(%run_scoped3A : memref<!tpu.dma_semaphore, #tpu.memory_space<semaphore_mem>>)
      %dma_wait3A = tpu.memref_slice %arg3[%add3A_12] : memref<1048576xf32, #tpu.memory_space<hbm>> -> memref<8192xf32, #tpu.memory_space<hbm>>
      %dma_wait3A_32 = tpu.memref_slice %arg3[%add3A_12] : memref<1048576xf32, #tpu.memory_space<hbm>> -> memref<8192xf32, #tpu.memory_space<hbm>>
      tpu.wait_dma2 semaphore(%run_scoped3A : memref<!tpu.dma_semaphore, #tpu.memory_space<semaphore_mem>>) src(%dma_wait3A_32 : memref<8192xf32, #tpu.memory_space<hbm>>) dst(%arg7 : memref<8192xf32, #tpu.memory_space<vmem>>)
      tpu.yield
    }) : () -> ()
    %scan3A_13 = arith.constant 0 : i32
    %scan3A_14 = arith.constant 0 : i32
    %scan3A_15 = arith.constant 512 : i32
    %scan3A_16 = arith.addi %scan3A_14, %scan3A_15 : i32
    %scan3A_17 = arith.constant 8 : i32
    scf.for %scan3A_31 = %scan3A_14 to %scan3A_16 step %scan3A_17  : i32 {
      %mul3A_32 = arith.constant 16 : i32
      %mul3A_33 = arith.muli %scan3A_31, %mul3A_32 : i32
      %get3A = arith.index_cast %mul3A_33 : i32 to index
      %get3A_34 = tpu.vector_load %arg6[%get3A] {strides = array<i32>} : memref<8192xi32, #tpu.memory_space<vmem>>, vector<16xi32>,
      %mul3A_35 = arith.constant 16 : i32
      %mul3A_36 = arith.muli %scan3A_31, %mul3A_35 : i32
      %get3A_37 = arith.index_cast %mul3A_36 : i32 to index
      %get3A_38 = tpu.vector_load %arg7[%get3A_37] {strides = array<i32>} : memref<8192xf32, #tpu.memory_space<vmem>>, vector<16xf32>,
      tpu.vector_store_idx %arg5[%get3A_34], %get3A_38 {add = true} : memref<100000xf32, #tpu.memory_space<vmem>>[vector<16xi32>], vector<16xf32>,
      %scan3A_39 = arith.constant 1 : i32
      %scan3A_40 = arith.addi %scan3A_31, %scan3A_39 : i32
      %mul3A_41 = arith.constant 16 : i32
      %mul3A_42 = arith.muli %scan3A_40, %mul3A_41 : i32
      %get3A_43 = arith.index_cast %mul3A_42 : i32 to index
      %get3A_44 = tpu.vector_load %arg6[%get3A_43] {strides = array<i32>} : memref<8192xi32, #tpu.memory_space<vmem>>, vector<16xi32>,
      %mul3A_45 = arith.constant 16 : i32
      %mul3A_46 = arith.muli %scan3A_40, %mul3A_45 : i32
      %get3A_47 = arith.index_cast %mul3A_46 : i32 to index
      %get3A_48 = tpu.vector_load %arg7[%get3A_47] {strides = array<i32>} : memref<8192xf32, #tpu.memory_space<vmem>>, vector<16xf32>,
      tpu.vector_store_idx %arg5[%get3A_44], %get3A_48 {add = true} : memref<100000xf32, #tpu.memory_space<vmem>>[vector<16xi32>], vector<16xf32>,
      %scan3A_49 = arith.constant 2 : i32
      %scan3A_50 = arith.addi %scan3A_31, %scan3A_49 : i32
      %mul3A_51 = arith.constant 16 : i32
      %mul3A_52 = arith.muli %scan3A_50, %mul3A_51 : i32
      %get3A_53 = arith.index_cast %mul3A_52 : i32 to index
      %get3A_54 = tpu.vector_load %arg6[%get3A_53] {strides = array<i32>} : memref<8192xi32, #tpu.memory_space<vmem>>, vector<16xi32>,
      %mul3A_55 = arith.constant 16 : i32
      %mul3A_56 = arith.muli %scan3A_50, %mul3A_55 : i32
      %get3A_57 = arith.index_cast %mul3A_56 : i32 to index
      %get3A_58 = tpu.vector_load %arg7[%get3A_57] {strides = array<i32>} : memref<8192xf32, #tpu.memory_space<vmem>>, vector<16xf32>,
      tpu.vector_store_idx %arg5[%get3A_54], %get3A_58 {add = true} : memref<100000xf32, #tpu.memory_space<vmem>>[vector<16xi32>], vector<16xf32>,
      %scan3A_59 = arith.constant 3 : i32
      %scan3A_60 = arith.addi %scan3A_31, %scan3A_59 : i32
      %mul3A_61 = arith.constant 16 : i32
      %mul3A_62 = arith.muli %scan3A_60, %mul3A_61 : i32
      %get3A_63 = arith.index_cast %mul3A_62 : i32 to index
      %get3A_64 = tpu.vector_load %arg6[%get3A_63] {strides = array<i32>} : memref<8192xi32, #tpu.memory_space<vmem>>, vector<16xi32>,
      %mul3A_65 = arith.constant 16 : i32
      %mul3A_66 = arith.muli %scan3A_60, %mul3A_65 : i32
      %get3A_67 = arith.index_cast %mul3A_66 : i32 to index
      %get3A_68 = tpu.vector_load %arg7[%get3A_67] {strides = array<i32>} : memref<8192xf32, #tpu.memory_space<vmem>>, vector<16xf32>,
      tpu.vector_store_idx %arg5[%get3A_64], %get3A_68 {add = true} : memref<100000xf32, #tpu.memory_space<vmem>>[vector<16xi32>], vector<16xf32>,
      %scan3A_69 = arith.constant 4 : i32
      %scan3A_70 = arith.addi %scan3A_31, %scan3A_69 : i32
      %mul3A_71 = arith.constant 16 : i32
      %mul3A_72 = arith.muli %scan3A_70, %mul3A_71 : i32
      %get3A_73 = arith.index_cast %mul3A_72 : i32 to index
      %get3A_74 = tpu.vector_load %arg6[%get3A_73] {strides = array<i32>} : memref<8192xi32, #tpu.memory_space<vmem>>, vector<16xi32>,
      %mul3A_75 = arith.constant 16 : i32
      %mul3A_76 = arith.muli %scan3A_70, %mul3A_75 : i32
      %get3A_77 = arith.index_cast %mul3A_76 : i32 to index
      %get3A_78 = tpu.vector_load %arg7[%get3A_77] {strides = array<i32>} : memref<8192xf32, #tpu.memory_space<vmem>>, vector<16xf32>,
      tpu.vector_store_idx %arg5[%get3A_74], %get3A_78 {add = true} : memref<100000xf32, #tpu.memory_space<vmem>>[vector<16xi32>], vector<16xf32>,
      %scan3A_79 = arith.constant 5 : i32
      %scan3A_80 = arith.addi %scan3A_31, %scan3A_79 : i32
      %mul3A_81 = arith.constant 16 : i32
      %mul3A_82 = arith.muli %scan3A_80, %mul3A_81 : i32
      %get3A_83 = arith.index_cast %mul3A_82 : i32 to index
      %get3A_84 = tpu.vector_load %arg6[%get3A_83] {strides = array<i32>} : memref<8192xi32, #tpu.memory_space<vmem>>, vector<16xi32>,
      %mul3A_85 = arith.constant 16 : i32
      %mul3A_86 = arith.muli %scan3A_80, %mul3A_85 : i32
      %get3A_87 = arith.index_cast %mul3A_86 : i32 to index
      %get3A_88 = tpu.vector_load %arg7[%get3A_87] {strides = array<i32>} : memref<8192xf32, #tpu.memory_space<vmem>>, vector<16xf32>,
      tpu.vector_store_idx %arg5[%get3A_84], %get3A_88 {add = true} : memref<100000xf32, #tpu.memory_space<vmem>>[vector<16xi32>], vector<16xf32>,
      %scan3A_89 = arith.constant 6 : i32
      %scan3A_90 = arith.addi %scan3A_31, %scan3A_89 : i32
      %mul3A_91 = arith.constant 16 : i32
      %mul3A_92 = arith.muli %scan3A_90, %mul3A_91 : i32
      %get3A_93 = arith.index_cast %mul3A_92 : i32 to index
      %get3A_94 = tpu.vector_load %arg6[%get3A_93] {strides = array<i32>} : memref<8192xi32, #tpu.memory_space<vmem>>, vector<16xi32>,
      %mul3A_95 = arith.constant 16 : i32
      %mul3A_96 = arith.muli %scan3A_90, %mul3A_95 : i32
      %get3A_97 = arith.index_cast %mul3A_96 : i32 to index
      %get3A_98 = tpu.vector_load %arg7[%get3A_97] {strides = array<i32>} : memref<8192xf32, #tpu.memory_space<vmem>>, vector<16xf32>,
      tpu.vector_store_idx %arg5[%get3A_94], %get3A_98 {add = true} : memref<100000xf32, #tpu.memory_space<vmem>>[vector<16xi32>], vector<16xf32>,
      %scan3A_99 = arith.constant 7 : i32
      %scan3A_100 = arith.addi %scan3A_31, %scan3A_99 : i32
      %mul3A_101 = arith.constant 16 : i32
      %mul3A_102 = arith.muli %scan3A_100, %mul3A_101 : i32
      %get3A_103 = arith.index_cast %mul3A_102 : i32 to index
      %get3A_104 = tpu.vector_load %arg6[%get3A_103] {strides = array<i32>} : memref<8192xi32, #tpu.memory_space<vmem>>, vector<16xi32>,
      %mul3A_105 = arith.constant 16 : i32
      %mul3A_106 = arith.muli %scan3A_100, %mul3A_105 : i32
      %get3A_107 = arith.index_cast %mul3A_106 : i32 to index
      %get3A_108 = tpu.vector_load %arg7[%get3A_107] {strides = array<i32>} : memref<8192xf32, #tpu.memory_space<vmem>>, vector<16xf32>,
      tpu.vector_store_idx %arg5[%get3A_104], %get3A_108 {add = true} : memref<100000xf32, #tpu.memory_space<vmem>>[vector<16xi32>], vector<16xf32>,
    }
    %scan3A_18 = arith.constant 512 : i32
    %mul3A_19 = arith.constant 16384 : i32
    %mul3A_20 = arith.muli %add3A_2, %mul3A_19 : i32
    %add3A_21 = arith.constant 8192 : i32
    %add3A_22 = arith.addi %mul3A_20, %add3A_21 : i32
    "tpu.region"() ({
      %run_scoped3A = tpu.sem_alloc : memref<!tpu.dma_semaphore, #tpu.memory_space<semaphore_mem>>
      %dma_start3A = tpu.memref_slice %arg2[%add3A_22] : memref<1048576xi32, #tpu.memory_space<hbm>> -> memref<8192xi32, #tpu.memory_space<hbm>>
      %dma_start3A_31 = tpu.memref_slice %arg2[%add3A_22] : memref<1048576xi32, #tpu.memory_space<hbm>> -> memref<8192xi32, #tpu.memory_space<hbm>>
      tpu.enqueue_dma source(%dma_start3A_31 : memref<8192xi32, #tpu.memory_space<hbm>>) target(%arg6 : memref<8192xi32, #tpu.memory_space<vmem>>) target_semaphore(%run_scoped3A : memref<!tpu.dma_semaphore, #tpu.memory_space<semaphore_mem>>)
      %dma_wait3A = tpu.memref_slice %arg2[%add3A_22] : memref<1048576xi32, #tpu.memory_space<hbm>> -> memref<8192xi32, #tpu.memory_space<hbm>>
      %dma_wait3A_32 = tpu.memref_slice %arg2[%add3A_22] : memref<1048576xi32, #tpu.memory_space<hbm>> -> memref<8192xi32, #tpu.memory_space<hbm>>
      tpu.wait_dma2 semaphore(%run_scoped3A : memref<!tpu.dma_semaphore, #tpu.memory_space<semaphore_mem>>) src(%dma_wait3A_32 : memref<8192xi32, #tpu.memory_space<hbm>>) dst(%arg6 : memref<8192xi32, #tpu.memory_space<vmem>>)
      tpu.yield
    }) : () -> ()
    "tpu.region"() ({
      %run_scoped3A = tpu.sem_alloc : memref<!tpu.dma_semaphore, #tpu.memory_space<semaphore_mem>>
      %dma_start3A = tpu.memref_slice %arg3[%add3A_22] : memref<1048576xf32, #tpu.memory_space<hbm>> -> memref<8192xf32, #tpu.memory_space<hbm>>
      %dma_start3A_31 = tpu.memref_slice %arg3[%add3A_22] : memref<1048576xf32, #tpu.memory_space<hbm>> -> memref<8192xf32, #tpu.memory_space<hbm>>
      tpu.enqueue_dma source(%dma_start3A_31 : memref<8192xf32, #tpu.memory_space<hbm>>) target(%arg7 : memref<8192xf32, #tpu.memory_space<vmem>>) target_semaphore(%run_scoped3A : memref<!tpu.dma_semaphore, #tpu.memory_space<semaphore_mem>>)
      %dma_wait3A = tpu.memref_slice %arg3[%add3A_22] : memref<1048576xf32, #tpu.memory_space<hbm>> -> memref<8192xf32, #tpu.memory_space<hbm>>
      %dma_wait3A_32 = tpu.memref_slice %arg3[%add3A_22] : memref<1048576xf32, #tpu.memory_space<hbm>> -> memref<8192xf32, #tpu.memory_space<hbm>>
      tpu.wait_dma2 semaphore(%run_scoped3A : memref<!tpu.dma_semaphore, #tpu.memory_space<semaphore_mem>>) src(%dma_wait3A_32 : memref<8192xf32, #tpu.memory_space<hbm>>) dst(%arg7 : memref<8192xf32, #tpu.memory_space<vmem>>)
      tpu.yield
    }) : () -> ()
    %scan3A_23 = arith.constant 0 : i32
    %scan3A_24 = arith.constant 0 : i32
    %scan3A_25 = arith.constant 512 : i32
    %scan3A_26 = arith.addi %scan3A_24, %scan3A_25 : i32
    %scan3A_27 = arith.constant 8 : i32
    scf.for %scan3A_31 = %scan3A_24 to %scan3A_26 step %scan3A_27  : i32 {
      %mul3A_32 = arith.constant 16 : i32
      %mul3A_33 = arith.muli %scan3A_31, %mul3A_32 : i32
      %get3A = arith.index_cast %mul3A_33 : i32 to index
      %get3A_34 = tpu.vector_load %arg6[%get3A] {strides = array<i32>} : memref<8192xi32, #tpu.memory_space<vmem>>, vector<16xi32>,
      %mul3A_35 = arith.constant 16 : i32
      %mul3A_36 = arith.muli %scan3A_31, %mul3A_35 : i32
      %get3A_37 = arith.index_cast %mul3A_36 : i32 to index
      %get3A_38 = tpu.vector_load %arg7[%get3A_37] {strides = array<i32>} : memref<8192xf32, #tpu.memory_space<vmem>>, vector<16xf32>,
      tpu.vector_store_idx %arg5[%get3A_34], %get3A_38 {add = true} : memref<100000xf32, #tpu.memory_space<vmem>>[vector<16xi32>], vector<16xf32>,
      %scan3A_39 = arith.constant 1 : i32
      %scan3A_40 = arith.addi %scan3A_31, %scan3A_39 : i32
      %mul3A_41 = arith.constant 16 : i32
      %mul3A_42 = arith.muli %scan3A_40, %mul3A_41 : i32
      %get3A_43 = arith.index_cast %mul3A_42 : i32 to index
      %get3A_44 = tpu.vector_load %arg6[%get3A_43] {strides = array<i32>} : memref<8192xi32, #tpu.memory_space<vmem>>, vector<16xi32>,
      %mul3A_45 = arith.constant 16 : i32
      %mul3A_46 = arith.muli %scan3A_40, %mul3A_45 : i32
      %get3A_47 = arith.index_cast %mul3A_46 : i32 to index
      %get3A_48 = tpu.vector_load %arg7[%get3A_47] {strides = array<i32>} : memref<8192xf32, #tpu.memory_space<vmem>>, vector<16xf32>,
      tpu.vector_store_idx %arg5[%get3A_44], %get3A_48 {add = true} : memref<100000xf32, #tpu.memory_space<vmem>>[vector<16xi32>], vector<16xf32>,
      %scan3A_49 = arith.constant 2 : i32
      %scan3A_50 = arith.addi %scan3A_31, %scan3A_49 : i32
      %mul3A_51 = arith.constant 16 : i32
      %mul3A_52 = arith.muli %scan3A_50, %mul3A_51 : i32
      %get3A_53 = arith.index_cast %mul3A_52 : i32 to index
      %get3A_54 = tpu.vector_load %arg6[%get3A_53] {strides = array<i32>} : memref<8192xi32, #tpu.memory_space<vmem>>, vector<16xi32>,
      %mul3A_55 = arith.constant 16 : i32
      %mul3A_56 = arith.muli %scan3A_50, %mul3A_55 : i32
      %get3A_57 = arith.index_cast %mul3A_56 : i32 to index
      %get3A_58 = tpu.vector_load %arg7[%get3A_57] {strides = array<i32>} : memref<8192xf32, #tpu.memory_space<vmem>>, vector<16xf32>,
      tpu.vector_store_idx %arg5[%get3A_54], %get3A_58 {add = true} : memref<100000xf32, #tpu.memory_space<vmem>>[vector<16xi32>], vector<16xf32>,
      %scan3A_59 = arith.constant 3 : i32
      %scan3A_60 = arith.addi %scan3A_31, %scan3A_59 : i32
      %mul3A_61 = arith.constant 16 : i32
      %mul3A_62 = arith.muli %scan3A_60, %mul3A_61 : i32
      %get3A_63 = arith.index_cast %mul3A_62 : i32 to index
      %get3A_64 = tpu.vector_load %arg6[%get3A_63] {strides = array<i32>} : memref<8192xi32, #tpu.memory_space<vmem>>, vector<16xi32>,
      %mul3A_65 = arith.constant 16 : i32
      %mul3A_66 = arith.muli %scan3A_60, %mul3A_65 : i32
      %get3A_67 = arith.index_cast %mul3A_66 : i32 to index
      %get3A_68 = tpu.vector_load %arg7[%get3A_67] {strides = array<i32>} : memref<8192xf32, #tpu.memory_space<vmem>>, vector<16xf32>,
      tpu.vector_store_idx %arg5[%get3A_64], %get3A_68 {add = true} : memref<100000xf32, #tpu.memory_space<vmem>>[vector<16xi32>], vector<16xf32>,
      %scan3A_69 = arith.constant 4 : i32
      %scan3A_70 = arith.addi %scan3A_31, %scan3A_69 : i32
      %mul3A_71 = arith.constant 16 : i32
      %mul3A_72 = arith.muli %scan3A_70, %mul3A_71 : i32
      %get3A_73 = arith.index_cast %mul3A_72 : i32 to index
      %get3A_74 = tpu.vector_load %arg6[%get3A_73] {strides = array<i32>} : memref<8192xi32, #tpu.memory_space<vmem>>, vector<16xi32>,
      %mul3A_75 = arith.constant 16 : i32
      %mul3A_76 = arith.muli %scan3A_70, %mul3A_75 : i32
      %get3A_77 = arith.index_cast %mul3A_76 : i32 to index
      %get3A_78 = tpu.vector_load %arg7[%get3A_77] {strides = array<i32>} : memref<8192xf32, #tpu.memory_space<vmem>>, vector<16xf32>,
      tpu.vector_store_idx %arg5[%get3A_74], %get3A_78 {add = true} : memref<100000xf32, #tpu.memory_space<vmem>>[vector<16xi32>], vector<16xf32>,
      %scan3A_79 = arith.constant 5 : i32
      %scan3A_80 = arith.addi %scan3A_31, %scan3A_79 : i32
      %mul3A_81 = arith.constant 16 : i32
      %mul3A_82 = arith.muli %scan3A_80, %mul3A_81 : i32
      %get3A_83 = arith.index_cast %mul3A_82 : i32 to index
      %get3A_84 = tpu.vector_load %arg6[%get3A_83] {strides = array<i32>} : memref<8192xi32, #tpu.memory_space<vmem>>, vector<16xi32>,
      %mul3A_85 = arith.constant 16 : i32
      %mul3A_86 = arith.muli %scan3A_80, %mul3A_85 : i32
      %get3A_87 = arith.index_cast %mul3A_86 : i32 to index
      %get3A_88 = tpu.vector_load %arg7[%get3A_87] {strides = array<i32>} : memref<8192xf32, #tpu.memory_space<vmem>>, vector<16xf32>,
      tpu.vector_store_idx %arg5[%get3A_84], %get3A_88 {add = true} : memref<100000xf32, #tpu.memory_space<vmem>>[vector<16xi32>], vector<16xf32>,
      %scan3A_89 = arith.constant 6 : i32
      %scan3A_90 = arith.addi %scan3A_31, %scan3A_89 : i32
      %mul3A_91 = arith.constant 16 : i32
      %mul3A_92 = arith.muli %scan3A_90, %mul3A_91 : i32
      %get3A_93 = arith.index_cast %mul3A_92 : i32 to index
      %get3A_94 = tpu.vector_load %arg6[%get3A_93] {strides = array<i32>} : memref<8192xi32, #tpu.memory_space<vmem>>, vector<16xi32>,
      %mul3A_95 = arith.constant 16 : i32
      %mul3A_96 = arith.muli %scan3A_90, %mul3A_95 : i32
      %get3A_97 = arith.index_cast %mul3A_96 : i32 to index
      %get3A_98 = tpu.vector_load %arg7[%get3A_97] {strides = array<i32>} : memref<8192xf32, #tpu.memory_space<vmem>>, vector<16xf32>,
      tpu.vector_store_idx %arg5[%get3A_94], %get3A_98 {add = true} : memref<100000xf32, #tpu.memory_space<vmem>>[vector<16xi32>], vector<16xf32>,
      %scan3A_99 = arith.constant 7 : i32
      %scan3A_100 = arith.addi %scan3A_31, %scan3A_99 : i32
      %mul3A_101 = arith.constant 16 : i32
      %mul3A_102 = arith.muli %scan3A_100, %mul3A_101 : i32
      %get3A_103 = arith.index_cast %mul3A_102 : i32 to index
      %get3A_104 = tpu.vector_load %arg6[%get3A_103] {strides = array<i32>} : memref<8192xi32, #tpu.memory_space<vmem>>, vector<16xi32>,
      %mul3A_105 = arith.constant 16 : i32
      %mul3A_106 = arith.muli %scan3A_100, %mul3A_105 : i32
      %get3A_107 = arith.index_cast %mul3A_106 : i32 to index
      %get3A_108 = tpu.vector_load %arg7[%get3A_107] {strides = array<i32>} : memref<8192xf32, #tpu.memory_space<vmem>>, vector<16xf32>,
      tpu.vector_store_idx %arg5[%get3A_104], %get3A_108 {add = true} : memref<100000xf32, #tpu.memory_space<vmem>>[vector<16xi32>], vector<16xf32>,
    }
    %scan3A_28 = arith.constant 512 : i32
    %mul3A_29 = arith.constant 100096 : i32
    %mul3A_30 = arith.muli %add3A, %mul3A_29 : i32
    "tpu.region"() ({
      %run_scoped3A = tpu.sem_alloc : memref<!tpu.dma_semaphore, #tpu.memory_space<semaphore_mem>>
      %dma_start3A = tpu.memref_slice %arg4[%mul3A_30] : memref<3203072xf32, #tpu.memory_space<hbm>> -> memref<100000xf32, #tpu.memory_space<hbm>>
      %dma_start3A_31 = tpu.memref_slice %arg4[%mul3A_30] : memref<3203072xf32, #tpu.memory_space<hbm>> -> memref<100000xf32, #tpu.memory_space<hbm>>
      tpu.enqueue_dma source(%arg5 : memref<100000xf32, #tpu.memory_space<vmem>>) target(%dma_start3A_31 : memref<100000xf32, #tpu.memory_space<hbm>>) target_semaphore(%run_scoped3A : memref<!tpu.dma_semaphore, #tpu.memory_space<semaphore_mem>>)
      %dma_wait3A = tpu.memref_slice %arg4[%mul3A_30] : memref<3203072xf32, #tpu.memory_space<hbm>> -> memref<100000xf32, #tpu.memory_space<hbm>>
      %dma_wait3A_32 = tpu.memref_slice %arg4[%mul3A_30] : memref<3203072xf32, #tpu.memory_space<hbm>> -> memref<100000xf32, #tpu.memory_space<hbm>>
      tpu.wait_dma2 semaphore(%run_scoped3A : memref<!tpu.dma_semaphore, #tpu.memory_space<semaphore_mem>>) src(%arg5 : memref<100000xf32, #tpu.memory_space<vmem>>) dst(%dma_wait3A_32 : memref<100000xf32, #tpu.memory_space<hbm>>)
      tpu.yield
    }) : () -> ()
    return
  }
}

#map = affine_map<(d0, d1) -> (0)>
module attributes {stable_mosaic.version = 14 : i64} {
  func.func @_scatter_half(%arg0: i32, %arg1: i32, %arg2: memref<1048576xi32, #tpu.memory_space<hbm>>, %arg3: memref<1048576xf32, #tpu.memory_space<hbm>>, %arg4: memref<3203072xf32, #tpu.memory_space<hbm>>, %arg5: memref<100000xf32, #tpu.memory_space<vmem>>, %arg6: memref<8192xi32, #tpu.memory_space<vmem>>, %arg7: memref<8192xf32, #tpu.memory_space<vmem>>) attributes {dimension_semantics = [#tpu.dimension_semantics<core_parallel>, #tpu.dimension_semantics<subcore_parallel>], iteration_bounds = array<i64: 2, 16>, scalar_prefetch = 0 : i64, scratch_operands = 3 : i64, tpu.core_type = #tpu.core_type<sc_vector_subcore>, window_params = [{transform_indices = #map}, {transform_indices = #map}, {transform_indices = #map}]} {
    %mul3A = arith.constant 2 : i32
    %mul3A_0 = arith.muli %arg1, %mul3A : i32
    %add3A = arith.addi %mul3A_0, %arg0 : i32
    %add3A_1 = arith.constant 0 : i32
    %add3A_2 = arith.addi %add3A_1, %add3A : i32
    %broadcast_in_dim3A = arith.constant 0.000000e+00 : f32
    %broadcast_in_dim3A_3 = vector.broadcast %broadcast_in_dim3A : f32 to vector<16xf32>
    %scan3A = arith.constant 0 : i32
    %scan3A_4 = arith.constant 0 : i32
    %scan3A_5 = arith.constant 6250 : i32
    %scan3A_6 = arith.addi %scan3A_4, %scan3A_5 : i32
    %scan3A_7 = arith.constant 25 : i32
    scf.for %scan3A_31 = %scan3A_4 to %scan3A_6 step %scan3A_7  : i32 {
      %mul3A_32 = arith.constant 16 : i32
      %mul3A_33 = arith.muli %scan3A_31, %mul3A_32 : i32
      %swap3A = arith.index_cast %mul3A_33 : i32 to index
      %swap3A_34 = tpu.vector_load %arg5[%swap3A] {strides = array<i32>} : memref<100000xf32, #tpu.memory_space<vmem>>, vector<16xf32>,
      tpu.vector_store %arg5[%swap3A], %broadcast_in_dim3A_3 {strides = array<i32>} : memref<100000xf32, #tpu.memory_space<vmem>>, vector<16xf32>,
      %scan3A_35 = arith.constant 1 : i32
      %scan3A_36 = arith.addi %scan3A_31, %scan3A_35 : i32
      %mul3A_37 = arith.constant 16 : i32
      %mul3A_38 = arith.muli %scan3A_36, %mul3A_37 : i32
      %swap3A_39 = arith.index_cast %mul3A_38 : i32 to index
      %swap3A_40 = tpu.vector_load %arg5[%swap3A_39] {strides = array<i32>} : memref<100000xf32, #tpu.memory_space<vmem>>, vector<16xf32>,
      tpu.vector_store %arg5[%swap3A_39], %broadcast_in_dim3A_3 {strides = array<i32>} : memref<100000xf32, #tpu.memory_space<vmem>>, vector<16xf32>,
      %scan3A_41 = arith.constant 2 : i32
      %scan3A_42 = arith.addi %scan3A_31, %scan3A_41 : i32
      %mul3A_43 = arith.constant 16 : i32
      %mul3A_44 = arith.muli %scan3A_42, %mul3A_43 : i32
      %swap3A_45 = arith.index_cast %mul3A_44 : i32 to index
      %swap3A_46 = tpu.vector_load %arg5[%swap3A_45] {strides = array<i32>} : memref<100000xf32, #tpu.memory_space<vmem>>, vector<16xf32>,
      tpu.vector_store %arg5[%swap3A_45], %broadcast_in_dim3A_3 {strides = array<i32>} : memref<100000xf32, #tpu.memory_space<vmem>>, vector<16xf32>,
      %scan3A_47 = arith.constant 3 : i32
      %scan3A_48 = arith.addi %scan3A_31, %scan3A_47 : i32
      %mul3A_49 = arith.constant 16 : i32
      %mul3A_50 = arith.muli %scan3A_48, %mul3A_49 : i32
      %swap3A_51 = arith.index_cast %mul3A_50 : i32 to index
      %swap3A_52 = tpu.vector_load %arg5[%swap3A_51] {strides = array<i32>} : memref<100000xf32, #tpu.memory_space<vmem>>, vector<16xf32>,
      tpu.vector_store %arg5[%swap3A_51], %broadcast_in_dim3A_3 {strides = array<i32>} : memref<100000xf32, #tpu.memory_space<vmem>>, vector<16xf32>,
      %scan3A_53 = arith.constant 4 : i32
      %scan3A_54 = arith.addi %scan3A_31, %scan3A_53 : i32
      %mul3A_55 = arith.constant 16 : i32
      %mul3A_56 = arith.muli %scan3A_54, %mul3A_55 : i32
      %swap3A_57 = arith.index_cast %mul3A_56 : i32 to index
      %swap3A_58 = tpu.vector_load %arg5[%swap3A_57] {strides = array<i32>} : memref<100000xf32, #tpu.memory_space<vmem>>, vector<16xf32>,
      tpu.vector_store %arg5[%swap3A_57], %broadcast_in_dim3A_3 {strides = array<i32>} : memref<100000xf32, #tpu.memory_space<vmem>>, vector<16xf32>,
      %scan3A_59 = arith.constant 5 : i32
      %scan3A_60 = arith.addi %scan3A_31, %scan3A_59 : i32
      %mul3A_61 = arith.constant 16 : i32
      %mul3A_62 = arith.muli %scan3A_60, %mul3A_61 : i32
      %swap3A_63 = arith.index_cast %mul3A_62 : i32 to index
      %swap3A_64 = tpu.vector_load %arg5[%swap3A_63] {strides = array<i32>} : memref<100000xf32, #tpu.memory_space<vmem>>, vector<16xf32>,
      tpu.vector_store %arg5[%swap3A_63], %broadcast_in_dim3A_3 {strides = array<i32>} : memref<100000xf32, #tpu.memory_space<vmem>>, vector<16xf32>,
      %scan3A_65 = arith.constant 6 : i32
      %scan3A_66 = arith.addi %scan3A_31, %scan3A_65 : i32
      %mul3A_67 = arith.constant 16 : i32
      %mul3A_68 = arith.muli %scan3A_66, %mul3A_67 : i32
      %swap3A_69 = arith.index_cast %mul3A_68 : i32 to index
      %swap3A_70 = tpu.vector_load %arg5[%swap3A_69] {strides = array<i32>} : memref<100000xf32, #tpu.memory_space<vmem>>, vector<16xf32>,
      tpu.vector_store %arg5[%swap3A_69], %broadcast_in_dim3A_3 {strides = array<i32>} : memref<100000xf32, #tpu.memory_space<vmem>>, vector<16xf32>,
      %scan3A_71 = arith.constant 7 : i32
      %scan3A_72 = arith.addi %scan3A_31, %scan3A_71 : i32
      %mul3A_73 = arith.constant 16 : i32
      %mul3A_74 = arith.muli %scan3A_72, %mul3A_73 : i32
      %swap3A_75 = arith.index_cast %mul3A_74 : i32 to index
      %swap3A_76 = tpu.vector_load %arg5[%swap3A_75] {strides = array<i32>} : memref<100000xf32, #tpu.memory_space<vmem>>, vector<16xf32>,
      tpu.vector_store %arg5[%swap3A_75], %broadcast_in_dim3A_3 {strides = array<i32>} : memref<100000xf32, #tpu.memory_space<vmem>>, vector<16xf32>,
      %scan3A_77 = arith.constant 8 : i32
      %scan3A_78 = arith.addi %scan3A_31, %scan3A_77 : i32
      %mul3A_79 = arith.constant 16 : i32
      %mul3A_80 = arith.muli %scan3A_78, %mul3A_79 : i32
      %swap3A_81 = arith.index_cast %mul3A_80 : i32 to index
      %swap3A_82 = tpu.vector_load %arg5[%swap3A_81] {strides = array<i32>} : memref<100000xf32, #tpu.memory_space<vmem>>, vector<16xf32>,
      tpu.vector_store %arg5[%swap3A_81], %broadcast_in_dim3A_3 {strides = array<i32>} : memref<100000xf32, #tpu.memory_space<vmem>>, vector<16xf32>,
      %scan3A_83 = arith.constant 9 : i32
      %scan3A_84 = arith.addi %scan3A_31, %scan3A_83 : i32
      %mul3A_85 = arith.constant 16 : i32
      %mul3A_86 = arith.muli %scan3A_84, %mul3A_85 : i32
      %swap3A_87 = arith.index_cast %mul3A_86 : i32 to index
      %swap3A_88 = tpu.vector_load %arg5[%swap3A_87] {strides = array<i32>} : memref<100000xf32, #tpu.memory_space<vmem>>, vector<16xf32>,
      tpu.vector_store %arg5[%swap3A_87], %broadcast_in_dim3A_3 {strides = array<i32>} : memref<100000xf32, #tpu.memory_space<vmem>>, vector<16xf32>,
      %scan3A_89 = arith.constant 10 : i32
      %scan3A_90 = arith.addi %scan3A_31, %scan3A_89 : i32
      %mul3A_91 = arith.constant 16 : i32
      %mul3A_92 = arith.muli %scan3A_90, %mul3A_91 : i32
      %swap3A_93 = arith.index_cast %mul3A_92 : i32 to index
      %swap3A_94 = tpu.vector_load %arg5[%swap3A_93] {strides = array<i32>} : memref<100000xf32, #tpu.memory_space<vmem>>, vector<16xf32>,
      tpu.vector_store %arg5[%swap3A_93], %broadcast_in_dim3A_3 {strides = array<i32>} : memref<100000xf32, #tpu.memory_space<vmem>>, vector<16xf32>,
      %scan3A_95 = arith.constant 11 : i32
      %scan3A_96 = arith.addi %scan3A_31, %scan3A_95 : i32
      %mul3A_97 = arith.constant 16 : i32
      %mul3A_98 = arith.muli %scan3A_96, %mul3A_97 : i32
      %swap3A_99 = arith.index_cast %mul3A_98 : i32 to index
      %swap3A_100 = tpu.vector_load %arg5[%swap3A_99] {strides = array<i32>} : memref<100000xf32, #tpu.memory_space<vmem>>, vector<16xf32>,
      tpu.vector_store %arg5[%swap3A_99], %broadcast_in_dim3A_3 {strides = array<i32>} : memref<100000xf32, #tpu.memory_space<vmem>>, vector<16xf32>,
      %scan3A_101 = arith.constant 12 : i32
      %scan3A_102 = arith.addi %scan3A_31, %scan3A_101 : i32
      %mul3A_103 = arith.constant 16 : i32
      %mul3A_104 = arith.muli %scan3A_102, %mul3A_103 : i32
      %swap3A_105 = arith.index_cast %mul3A_104 : i32 to index
      %swap3A_106 = tpu.vector_load %arg5[%swap3A_105] {strides = array<i32>} : memref<100000xf32, #tpu.memory_space<vmem>>, vector<16xf32>,
      tpu.vector_store %arg5[%swap3A_105], %broadcast_in_dim3A_3 {strides = array<i32>} : memref<100000xf32, #tpu.memory_space<vmem>>, vector<16xf32>,
      %scan3A_107 = arith.constant 13 : i32
      %scan3A_108 = arith.addi %scan3A_31, %scan3A_107 : i32
      %mul3A_109 = arith.constant 16 : i32
      %mul3A_110 = arith.muli %scan3A_108, %mul3A_109 : i32
      %swap3A_111 = arith.index_cast %mul3A_110 : i32 to index
      %swap3A_112 = tpu.vector_load %arg5[%swap3A_111] {strides = array<i32>} : memref<100000xf32, #tpu.memory_space<vmem>>, vector<16xf32>,
      tpu.vector_store %arg5[%swap3A_111], %broadcast_in_dim3A_3 {strides = array<i32>} : memref<100000xf32, #tpu.memory_space<vmem>>, vector<16xf32>,
      %scan3A_113 = arith.constant 14 : i32
      %scan3A_114 = arith.addi %scan3A_31, %scan3A_113 : i32
      %mul3A_115 = arith.constant 16 : i32
      %mul3A_116 = arith.muli %scan3A_114, %mul3A_115 : i32
      %swap3A_117 = arith.index_cast %mul3A_116 : i32 to index
      %swap3A_118 = tpu.vector_load %arg5[%swap3A_117] {strides = array<i32>} : memref<100000xf32, #tpu.memory_space<vmem>>, vector<16xf32>,
      tpu.vector_store %arg5[%swap3A_117], %broadcast_in_dim3A_3 {strides = array<i32>} : memref<100000xf32, #tpu.memory_space<vmem>>, vector<16xf32>,
      %scan3A_119 = arith.constant 15 : i32
      %scan3A_120 = arith.addi %scan3A_31, %scan3A_119 : i32
      %mul3A_121 = arith.constant 16 : i32
      %mul3A_122 = arith.muli %scan3A_120, %mul3A_121 : i32
      %swap3A_123 = arith.index_cast %mul3A_122 : i32 to index
      %swap3A_124 = tpu.vector_load %arg5[%swap3A_123] {strides = array<i32>} : memref<100000xf32, #tpu.memory_space<vmem>>, vector<16xf32>,
      tpu.vector_store %arg5[%swap3A_123], %broadcast_in_dim3A_3 {strides = array<i32>} : memref<100000xf32, #tpu.memory_space<vmem>>, vector<16xf32>,
      %scan3A_125 = arith.constant 16 : i32
      %scan3A_126 = arith.addi %scan3A_31, %scan3A_125 : i32
      %mul3A_127 = arith.constant 16 : i32
      %mul3A_128 = arith.muli %scan3A_126, %mul3A_127 : i32
      %swap3A_129 = arith.index_cast %mul3A_128 : i32 to index
      %swap3A_130 = tpu.vector_load %arg5[%swap3A_129] {strides = array<i32>} : memref<100000xf32, #tpu.memory_space<vmem>>, vector<16xf32>,
      tpu.vector_store %arg5[%swap3A_129], %broadcast_in_dim3A_3 {strides = array<i32>} : memref<100000xf32, #tpu.memory_space<vmem>>, vector<16xf32>,
      %scan3A_131 = arith.constant 17 : i32
      %scan3A_132 = arith.addi %scan3A_31, %scan3A_131 : i32
      %mul3A_133 = arith.constant 16 : i32
      %mul3A_134 = arith.muli %scan3A_132, %mul3A_133 : i32
      %swap3A_135 = arith.index_cast %mul3A_134 : i32 to index
      %swap3A_136 = tpu.vector_load %arg5[%swap3A_135] {strides = array<i32>} : memref<100000xf32, #tpu.memory_space<vmem>>, vector<16xf32>,
      tpu.vector_store %arg5[%swap3A_135], %broadcast_in_dim3A_3 {strides = array<i32>} : memref<100000xf32, #tpu.memory_space<vmem>>, vector<16xf32>,
      %scan3A_137 = arith.constant 18 : i32
      %scan3A_138 = arith.addi %scan3A_31, %scan3A_137 : i32
      %mul3A_139 = arith.constant 16 : i32
      %mul3A_140 = arith.muli %scan3A_138, %mul3A_139 : i32
      %swap3A_141 = arith.index_cast %mul3A_140 : i32 to index
      %swap3A_142 = tpu.vector_load %arg5[%swap3A_141] {strides = array<i32>} : memref<100000xf32, #tpu.memory_space<vmem>>, vector<16xf32>,
      tpu.vector_store %arg5[%swap3A_141], %broadcast_in_dim3A_3 {strides = array<i32>} : memref<100000xf32, #tpu.memory_space<vmem>>, vector<16xf32>,
      %scan3A_143 = arith.constant 19 : i32
      %scan3A_144 = arith.addi %scan3A_31, %scan3A_143 : i32
      %mul3A_145 = arith.constant 16 : i32
      %mul3A_146 = arith.muli %scan3A_144, %mul3A_145 : i32
      %swap3A_147 = arith.index_cast %mul3A_146 : i32 to index
      %swap3A_148 = tpu.vector_load %arg5[%swap3A_147] {strides = array<i32>} : memref<100000xf32, #tpu.memory_space<vmem>>, vector<16xf32>,
      tpu.vector_store %arg5[%swap3A_147], %broadcast_in_dim3A_3 {strides = array<i32>} : memref<100000xf32, #tpu.memory_space<vmem>>, vector<16xf32>,
      %scan3A_149 = arith.constant 20 : i32
      %scan3A_150 = arith.addi %scan3A_31, %scan3A_149 : i32
      %mul3A_151 = arith.constant 16 : i32
      %mul3A_152 = arith.muli %scan3A_150, %mul3A_151 : i32
      %swap3A_153 = arith.index_cast %mul3A_152 : i32 to index
      %swap3A_154 = tpu.vector_load %arg5[%swap3A_153] {strides = array<i32>} : memref<100000xf32, #tpu.memory_space<vmem>>, vector<16xf32>,
      tpu.vector_store %arg5[%swap3A_153], %broadcast_in_dim3A_3 {strides = array<i32>} : memref<100000xf32, #tpu.memory_space<vmem>>, vector<16xf32>,
      %scan3A_155 = arith.constant 21 : i32
      %scan3A_156 = arith.addi %scan3A_31, %scan3A_155 : i32
      %mul3A_157 = arith.constant 16 : i32
      %mul3A_158 = arith.muli %scan3A_156, %mul3A_157 : i32
      %swap3A_159 = arith.index_cast %mul3A_158 : i32 to index
      %swap3A_160 = tpu.vector_load %arg5[%swap3A_159] {strides = array<i32>} : memref<100000xf32, #tpu.memory_space<vmem>>, vector<16xf32>,
      tpu.vector_store %arg5[%swap3A_159], %broadcast_in_dim3A_3 {strides = array<i32>} : memref<100000xf32, #tpu.memory_space<vmem>>, vector<16xf32>,
      %scan3A_161 = arith.constant 22 : i32
      %scan3A_162 = arith.addi %scan3A_31, %scan3A_161 : i32
      %mul3A_163 = arith.constant 16 : i32
      %mul3A_164 = arith.muli %scan3A_162, %mul3A_163 : i32
      %swap3A_165 = arith.index_cast %mul3A_164 : i32 to index
      %swap3A_166 = tpu.vector_load %arg5[%swap3A_165] {strides = array<i32>} : memref<100000xf32, #tpu.memory_space<vmem>>, vector<16xf32>,
      tpu.vector_store %arg5[%swap3A_165], %broadcast_in_dim3A_3 {strides = array<i32>} : memref<100000xf32, #tpu.memory_space<vmem>>, vector<16xf32>,
      %scan3A_167 = arith.constant 23 : i32
      %scan3A_168 = arith.addi %scan3A_31, %scan3A_167 : i32
      %mul3A_169 = arith.constant 16 : i32
      %mul3A_170 = arith.muli %scan3A_168, %mul3A_169 : i32
      %swap3A_171 = arith.index_cast %mul3A_170 : i32 to index
      %swap3A_172 = tpu.vector_load %arg5[%swap3A_171] {strides = array<i32>} : memref<100000xf32, #tpu.memory_space<vmem>>, vector<16xf32>,
      tpu.vector_store %arg5[%swap3A_171], %broadcast_in_dim3A_3 {strides = array<i32>} : memref<100000xf32, #tpu.memory_space<vmem>>, vector<16xf32>,
      %scan3A_173 = arith.constant 24 : i32
      %scan3A_174 = arith.addi %scan3A_31, %scan3A_173 : i32
      %mul3A_175 = arith.constant 16 : i32
      %mul3A_176 = arith.muli %scan3A_174, %mul3A_175 : i32
      %swap3A_177 = arith.index_cast %mul3A_176 : i32 to index
      %swap3A_178 = tpu.vector_load %arg5[%swap3A_177] {strides = array<i32>} : memref<100000xf32, #tpu.memory_space<vmem>>, vector<16xf32>,
      tpu.vector_store %arg5[%swap3A_177], %broadcast_in_dim3A_3 {strides = array<i32>} : memref<100000xf32, #tpu.memory_space<vmem>>, vector<16xf32>,
    }
    %scan3A_8 = arith.constant 6250 : i32
    %mul3A_9 = arith.constant 16384 : i32
    %mul3A_10 = arith.muli %add3A_2, %mul3A_9 : i32
    %add3A_11 = arith.constant 0 : i32
    %add3A_12 = arith.addi %mul3A_10, %add3A_11 : i32
    "tpu.region"() ({
      %run_scoped3A = tpu.sem_alloc : memref<!tpu.dma_semaphore, #tpu.memory_space<semaphore_mem>>
      %dma_start3A = tpu.memref_slice %arg2[%add3A_12] : memref<1048576xi32, #tpu.memory_space<hbm>> -> memref<8192xi32, #tpu.memory_space<hbm>>
      %dma_start3A_31 = tpu.memref_slice %arg2[%add3A_12] : memref<1048576xi32, #tpu.memory_space<hbm>> -> memref<8192xi32, #tpu.memory_space<hbm>>
      tpu.enqueue_dma source(%dma_start3A_31 : memref<8192xi32, #tpu.memory_space<hbm>>) target(%arg6 : memref<8192xi32, #tpu.memory_space<vmem>>) target_semaphore(%run_scoped3A : memref<!tpu.dma_semaphore, #tpu.memory_space<semaphore_mem>>)
      %dma_wait3A = tpu.memref_slice %arg2[%add3A_12] : memref<1048576xi32, #tpu.memory_space<hbm>> -> memref<8192xi32, #tpu.memory_space<hbm>>
      %dma_wait3A_32 = tpu.memref_slice %arg2[%add3A_12] : memref<1048576xi32, #tpu.memory_space<hbm>> -> memref<8192xi32, #tpu.memory_space<hbm>>
      tpu.wait_dma2 semaphore(%run_scoped3A : memref<!tpu.dma_semaphore, #tpu.memory_space<semaphore_mem>>) src(%dma_wait3A_32 : memref<8192xi32, #tpu.memory_space<hbm>>) dst(%arg6 : memref<8192xi32, #tpu.memory_space<vmem>>)
      tpu.yield
    }) : () -> ()
    "tpu.region"() ({
      %run_scoped3A = tpu.sem_alloc : memref<!tpu.dma_semaphore, #tpu.memory_space<semaphore_mem>>
      %dma_start3A = tpu.memref_slice %arg3[%add3A_12] : memref<1048576xf32, #tpu.memory_space<hbm>> -> memref<8192xf32, #tpu.memory_space<hbm>>
      %dma_start3A_31 = tpu.memref_slice %arg3[%add3A_12] : memref<1048576xf32, #tpu.memory_space<hbm>> -> memref<8192xf32, #tpu.memory_space<hbm>>
      tpu.enqueue_dma source(%dma_start3A_31 : memref<8192xf32, #tpu.memory_space<hbm>>) target(%arg7 : memref<8192xf32, #tpu.memory_space<vmem>>) target_semaphore(%run_scoped3A : memref<!tpu.dma_semaphore, #tpu.memory_space<semaphore_mem>>)
      %dma_wait3A = tpu.memref_slice %arg3[%add3A_12] : memref<1048576xf32, #tpu.memory_space<hbm>> -> memref<8192xf32, #tpu.memory_space<hbm>>
      %dma_wait3A_32 = tpu.memref_slice %arg3[%add3A_12] : memref<1048576xf32, #tpu.memory_space<hbm>> -> memref<8192xf32, #tpu.memory_space<hbm>>
      tpu.wait_dma2 semaphore(%run_scoped3A : memref<!tpu.dma_semaphore, #tpu.memory_space<semaphore_mem>>) src(%dma_wait3A_32 : memref<8192xf32, #tpu.memory_space<hbm>>) dst(%arg7 : memref<8192xf32, #tpu.memory_space<vmem>>)
      tpu.yield
    }) : () -> ()
    %scan3A_13 = arith.constant 0 : i32
    %scan3A_14 = arith.constant 0 : i32
    %scan3A_15 = arith.constant 512 : i32
    %scan3A_16 = arith.addi %scan3A_14, %scan3A_15 : i32
    %scan3A_17 = arith.constant 8 : i32
    scf.for %scan3A_31 = %scan3A_14 to %scan3A_16 step %scan3A_17  : i32 {
      %mul3A_32 = arith.constant 16 : i32
      %mul3A_33 = arith.muli %scan3A_31, %mul3A_32 : i32
      %get3A = arith.index_cast %mul3A_33 : i32 to index
      %get3A_34 = tpu.vector_load %arg6[%get3A] {strides = array<i32>} : memref<8192xi32, #tpu.memory_space<vmem>>, vector<16xi32>,
      %mul3A_35 = arith.constant 16 : i32
      %mul3A_36 = arith.muli %scan3A_31, %mul3A_35 : i32
      %get3A_37 = arith.index_cast %mul3A_36 : i32 to index
      %get3A_38 = tpu.vector_load %arg7[%get3A_37] {strides = array<i32>} : memref<8192xf32, #tpu.memory_space<vmem>>, vector<16xf32>,
      tpu.vector_store_idx %arg5[%get3A_34], %get3A_38 {add = true} : memref<100000xf32, #tpu.memory_space<vmem>>[vector<16xi32>], vector<16xf32>,
      %scan3A_39 = arith.constant 1 : i32
      %scan3A_40 = arith.addi %scan3A_31, %scan3A_39 : i32
      %mul3A_41 = arith.constant 16 : i32
      %mul3A_42 = arith.muli %scan3A_40, %mul3A_41 : i32
      %get3A_43 = arith.index_cast %mul3A_42 : i32 to index
      %get3A_44 = tpu.vector_load %arg6[%get3A_43] {strides = array<i32>} : memref<8192xi32, #tpu.memory_space<vmem>>, vector<16xi32>,
      %mul3A_45 = arith.constant 16 : i32
      %mul3A_46 = arith.muli %scan3A_40, %mul3A_45 : i32
      %get3A_47 = arith.index_cast %mul3A_46 : i32 to index
      %get3A_48 = tpu.vector_load %arg7[%get3A_47] {strides = array<i32>} : memref<8192xf32, #tpu.memory_space<vmem>>, vector<16xf32>,
      tpu.vector_store_idx %arg5[%get3A_44], %get3A_48 {add = true} : memref<100000xf32, #tpu.memory_space<vmem>>[vector<16xi32>], vector<16xf32>,
      %scan3A_49 = arith.constant 2 : i32
      %scan3A_50 = arith.addi %scan3A_31, %scan3A_49 : i32
      %mul3A_51 = arith.constant 16 : i32
      %mul3A_52 = arith.muli %scan3A_50, %mul3A_51 : i32
      %get3A_53 = arith.index_cast %mul3A_52 : i32 to index
      %get3A_54 = tpu.vector_load %arg6[%get3A_53] {strides = array<i32>} : memref<8192xi32, #tpu.memory_space<vmem>>, vector<16xi32>,
      %mul3A_55 = arith.constant 16 : i32
      %mul3A_56 = arith.muli %scan3A_50, %mul3A_55 : i32
      %get3A_57 = arith.index_cast %mul3A_56 : i32 to index
      %get3A_58 = tpu.vector_load %arg7[%get3A_57] {strides = array<i32>} : memref<8192xf32, #tpu.memory_space<vmem>>, vector<16xf32>,
      tpu.vector_store_idx %arg5[%get3A_54], %get3A_58 {add = true} : memref<100000xf32, #tpu.memory_space<vmem>>[vector<16xi32>], vector<16xf32>,
      %scan3A_59 = arith.constant 3 : i32
      %scan3A_60 = arith.addi %scan3A_31, %scan3A_59 : i32
      %mul3A_61 = arith.constant 16 : i32
      %mul3A_62 = arith.muli %scan3A_60, %mul3A_61 : i32
      %get3A_63 = arith.index_cast %mul3A_62 : i32 to index
      %get3A_64 = tpu.vector_load %arg6[%get3A_63] {strides = array<i32>} : memref<8192xi32, #tpu.memory_space<vmem>>, vector<16xi32>,
      %mul3A_65 = arith.constant 16 : i32
      %mul3A_66 = arith.muli %scan3A_60, %mul3A_65 : i32
      %get3A_67 = arith.index_cast %mul3A_66 : i32 to index
      %get3A_68 = tpu.vector_load %arg7[%get3A_67] {strides = array<i32>} : memref<8192xf32, #tpu.memory_space<vmem>>, vector<16xf32>,
      tpu.vector_store_idx %arg5[%get3A_64], %get3A_68 {add = true} : memref<100000xf32, #tpu.memory_space<vmem>>[vector<16xi32>], vector<16xf32>,
      %scan3A_69 = arith.constant 4 : i32
      %scan3A_70 = arith.addi %scan3A_31, %scan3A_69 : i32
      %mul3A_71 = arith.constant 16 : i32
      %mul3A_72 = arith.muli %scan3A_70, %mul3A_71 : i32
      %get3A_73 = arith.index_cast %mul3A_72 : i32 to index
      %get3A_74 = tpu.vector_load %arg6[%get3A_73] {strides = array<i32>} : memref<8192xi32, #tpu.memory_space<vmem>>, vector<16xi32>,
      %mul3A_75 = arith.constant 16 : i32
      %mul3A_76 = arith.muli %scan3A_70, %mul3A_75 : i32
      %get3A_77 = arith.index_cast %mul3A_76 : i32 to index
      %get3A_78 = tpu.vector_load %arg7[%get3A_77] {strides = array<i32>} : memref<8192xf32, #tpu.memory_space<vmem>>, vector<16xf32>,
      tpu.vector_store_idx %arg5[%get3A_74], %get3A_78 {add = true} : memref<100000xf32, #tpu.memory_space<vmem>>[vector<16xi32>], vector<16xf32>,
      %scan3A_79 = arith.constant 5 : i32
      %scan3A_80 = arith.addi %scan3A_31, %scan3A_79 : i32
      %mul3A_81 = arith.constant 16 : i32
      %mul3A_82 = arith.muli %scan3A_80, %mul3A_81 : i32
      %get3A_83 = arith.index_cast %mul3A_82 : i32 to index
      %get3A_84 = tpu.vector_load %arg6[%get3A_83] {strides = array<i32>} : memref<8192xi32, #tpu.memory_space<vmem>>, vector<16xi32>,
      %mul3A_85 = arith.constant 16 : i32
      %mul3A_86 = arith.muli %scan3A_80, %mul3A_85 : i32
      %get3A_87 = arith.index_cast %mul3A_86 : i32 to index
      %get3A_88 = tpu.vector_load %arg7[%get3A_87] {strides = array<i32>} : memref<8192xf32, #tpu.memory_space<vmem>>, vector<16xf32>,
      tpu.vector_store_idx %arg5[%get3A_84], %get3A_88 {add = true} : memref<100000xf32, #tpu.memory_space<vmem>>[vector<16xi32>], vector<16xf32>,
      %scan3A_89 = arith.constant 6 : i32
      %scan3A_90 = arith.addi %scan3A_31, %scan3A_89 : i32
      %mul3A_91 = arith.constant 16 : i32
      %mul3A_92 = arith.muli %scan3A_90, %mul3A_91 : i32
      %get3A_93 = arith.index_cast %mul3A_92 : i32 to index
      %get3A_94 = tpu.vector_load %arg6[%get3A_93] {strides = array<i32>} : memref<8192xi32, #tpu.memory_space<vmem>>, vector<16xi32>,
      %mul3A_95 = arith.constant 16 : i32
      %mul3A_96 = arith.muli %scan3A_90, %mul3A_95 : i32
      %get3A_97 = arith.index_cast %mul3A_96 : i32 to index
      %get3A_98 = tpu.vector_load %arg7[%get3A_97] {strides = array<i32>} : memref<8192xf32, #tpu.memory_space<vmem>>, vector<16xf32>,
      tpu.vector_store_idx %arg5[%get3A_94], %get3A_98 {add = true} : memref<100000xf32, #tpu.memory_space<vmem>>[vector<16xi32>], vector<16xf32>,
      %scan3A_99 = arith.constant 7 : i32
      %scan3A_100 = arith.addi %scan3A_31, %scan3A_99 : i32
      %mul3A_101 = arith.constant 16 : i32
      %mul3A_102 = arith.muli %scan3A_100, %mul3A_101 : i32
      %get3A_103 = arith.index_cast %mul3A_102 : i32 to index
      %get3A_104 = tpu.vector_load %arg6[%get3A_103] {strides = array<i32>} : memref<8192xi32, #tpu.memory_space<vmem>>, vector<16xi32>,
      %mul3A_105 = arith.constant 16 : i32
      %mul3A_106 = arith.muli %scan3A_100, %mul3A_105 : i32
      %get3A_107 = arith.index_cast %mul3A_106 : i32 to index
      %get3A_108 = tpu.vector_load %arg7[%get3A_107] {strides = array<i32>} : memref<8192xf32, #tpu.memory_space<vmem>>, vector<16xf32>,
      tpu.vector_store_idx %arg5[%get3A_104], %get3A_108 {add = true} : memref<100000xf32, #tpu.memory_space<vmem>>[vector<16xi32>], vector<16xf32>,
    }
    %scan3A_18 = arith.constant 512 : i32
    %mul3A_19 = arith.constant 16384 : i32
    %mul3A_20 = arith.muli %add3A_2, %mul3A_19 : i32
    %add3A_21 = arith.constant 8192 : i32
    %add3A_22 = arith.addi %mul3A_20, %add3A_21 : i32
    "tpu.region"() ({
      %run_scoped3A = tpu.sem_alloc : memref<!tpu.dma_semaphore, #tpu.memory_space<semaphore_mem>>
      %dma_start3A = tpu.memref_slice %arg2[%add3A_22] : memref<1048576xi32, #tpu.memory_space<hbm>> -> memref<8192xi32, #tpu.memory_space<hbm>>
      %dma_start3A_31 = tpu.memref_slice %arg2[%add3A_22] : memref<1048576xi32, #tpu.memory_space<hbm>> -> memref<8192xi32, #tpu.memory_space<hbm>>
      tpu.enqueue_dma source(%dma_start3A_31 : memref<8192xi32, #tpu.memory_space<hbm>>) target(%arg6 : memref<8192xi32, #tpu.memory_space<vmem>>) target_semaphore(%run_scoped3A : memref<!tpu.dma_semaphore, #tpu.memory_space<semaphore_mem>>)
      %dma_wait3A = tpu.memref_slice %arg2[%add3A_22] : memref<1048576xi32, #tpu.memory_space<hbm>> -> memref<8192xi32, #tpu.memory_space<hbm>>
      %dma_wait3A_32 = tpu.memref_slice %arg2[%add3A_22] : memref<1048576xi32, #tpu.memory_space<hbm>> -> memref<8192xi32, #tpu.memory_space<hbm>>
      tpu.wait_dma2 semaphore(%run_scoped3A : memref<!tpu.dma_semaphore, #tpu.memory_space<semaphore_mem>>) src(%dma_wait3A_32 : memref<8192xi32, #tpu.memory_space<hbm>>) dst(%arg6 : memref<8192xi32, #tpu.memory_space<vmem>>)
      tpu.yield
    }) : () -> ()
    "tpu.region"() ({
      %run_scoped3A = tpu.sem_alloc : memref<!tpu.dma_semaphore, #tpu.memory_space<semaphore_mem>>
      %dma_start3A = tpu.memref_slice %arg3[%add3A_22] : memref<1048576xf32, #tpu.memory_space<hbm>> -> memref<8192xf32, #tpu.memory_space<hbm>>
      %dma_start3A_31 = tpu.memref_slice %arg3[%add3A_22] : memref<1048576xf32, #tpu.memory_space<hbm>> -> memref<8192xf32, #tpu.memory_space<hbm>>
      tpu.enqueue_dma source(%dma_start3A_31 : memref<8192xf32, #tpu.memory_space<hbm>>) target(%arg7 : memref<8192xf32, #tpu.memory_space<vmem>>) target_semaphore(%run_scoped3A : memref<!tpu.dma_semaphore, #tpu.memory_space<semaphore_mem>>)
      %dma_wait3A = tpu.memref_slice %arg3[%add3A_22] : memref<1048576xf32, #tpu.memory_space<hbm>> -> memref<8192xf32, #tpu.memory_space<hbm>>
      %dma_wait3A_32 = tpu.memref_slice %arg3[%add3A_22] : memref<1048576xf32, #tpu.memory_space<hbm>> -> memref<8192xf32, #tpu.memory_space<hbm>>
      tpu.wait_dma2 semaphore(%run_scoped3A : memref<!tpu.dma_semaphore, #tpu.memory_space<semaphore_mem>>) src(%dma_wait3A_32 : memref<8192xf32, #tpu.memory_space<hbm>>) dst(%arg7 : memref<8192xf32, #tpu.memory_space<vmem>>)
      tpu.yield
    }) : () -> ()
    %scan3A_23 = arith.constant 0 : i32
    %scan3A_24 = arith.constant 0 : i32
    %scan3A_25 = arith.constant 512 : i32
    %scan3A_26 = arith.addi %scan3A_24, %scan3A_25 : i32
    %scan3A_27 = arith.constant 8 : i32
    scf.for %scan3A_31 = %scan3A_24 to %scan3A_26 step %scan3A_27  : i32 {
      %mul3A_32 = arith.constant 16 : i32
      %mul3A_33 = arith.muli %scan3A_31, %mul3A_32 : i32
      %get3A = arith.index_cast %mul3A_33 : i32 to index
      %get3A_34 = tpu.vector_load %arg6[%get3A] {strides = array<i32>} : memref<8192xi32, #tpu.memory_space<vmem>>, vector<16xi32>,
      %mul3A_35 = arith.constant 16 : i32
      %mul3A_36 = arith.muli %scan3A_31, %mul3A_35 : i32
      %get3A_37 = arith.index_cast %mul3A_36 : i32 to index
      %get3A_38 = tpu.vector_load %arg7[%get3A_37] {strides = array<i32>} : memref<8192xf32, #tpu.memory_space<vmem>>, vector<16xf32>,
      tpu.vector_store_idx %arg5[%get3A_34], %get3A_38 {add = true} : memref<100000xf32, #tpu.memory_space<vmem>>[vector<16xi32>], vector<16xf32>,
      %scan3A_39 = arith.constant 1 : i32
      %scan3A_40 = arith.addi %scan3A_31, %scan3A_39 : i32
      %mul3A_41 = arith.constant 16 : i32
      %mul3A_42 = arith.muli %scan3A_40, %mul3A_41 : i32
      %get3A_43 = arith.index_cast %mul3A_42 : i32 to index
      %get3A_44 = tpu.vector_load %arg6[%get3A_43] {strides = array<i32>} : memref<8192xi32, #tpu.memory_space<vmem>>, vector<16xi32>,
      %mul3A_45 = arith.constant 16 : i32
      %mul3A_46 = arith.muli %scan3A_40, %mul3A_45 : i32
      %get3A_47 = arith.index_cast %mul3A_46 : i32 to index
      %get3A_48 = tpu.vector_load %arg7[%get3A_47] {strides = array<i32>} : memref<8192xf32, #tpu.memory_space<vmem>>, vector<16xf32>,
      tpu.vector_store_idx %arg5[%get3A_44], %get3A_48 {add = true} : memref<100000xf32, #tpu.memory_space<vmem>>[vector<16xi32>], vector<16xf32>,
      %scan3A_49 = arith.constant 2 : i32
      %scan3A_50 = arith.addi %scan3A_31, %scan3A_49 : i32
      %mul3A_51 = arith.constant 16 : i32
      %mul3A_52 = arith.muli %scan3A_50, %mul3A_51 : i32
      %get3A_53 = arith.index_cast %mul3A_52 : i32 to index
      %get3A_54 = tpu.vector_load %arg6[%get3A_53] {strides = array<i32>} : memref<8192xi32, #tpu.memory_space<vmem>>, vector<16xi32>,
      %mul3A_55 = arith.constant 16 : i32
      %mul3A_56 = arith.muli %scan3A_50, %mul3A_55 : i32
      %get3A_57 = arith.index_cast %mul3A_56 : i32 to index
      %get3A_58 = tpu.vector_load %arg7[%get3A_57] {strides = array<i32>} : memref<8192xf32, #tpu.memory_space<vmem>>, vector<16xf32>,
      tpu.vector_store_idx %arg5[%get3A_54], %get3A_58 {add = true} : memref<100000xf32, #tpu.memory_space<vmem>>[vector<16xi32>], vector<16xf32>,
      %scan3A_59 = arith.constant 3 : i32
      %scan3A_60 = arith.addi %scan3A_31, %scan3A_59 : i32
      %mul3A_61 = arith.constant 16 : i32
      %mul3A_62 = arith.muli %scan3A_60, %mul3A_61 : i32
      %get3A_63 = arith.index_cast %mul3A_62 : i32 to index
      %get3A_64 = tpu.vector_load %arg6[%get3A_63] {strides = array<i32>} : memref<8192xi32, #tpu.memory_space<vmem>>, vector<16xi32>,
      %mul3A_65 = arith.constant 16 : i32
      %mul3A_66 = arith.muli %scan3A_60, %mul3A_65 : i32
      %get3A_67 = arith.index_cast %mul3A_66 : i32 to index
      %get3A_68 = tpu.vector_load %arg7[%get3A_67] {strides = array<i32>} : memref<8192xf32, #tpu.memory_space<vmem>>, vector<16xf32>,
      tpu.vector_store_idx %arg5[%get3A_64], %get3A_68 {add = true} : memref<100000xf32, #tpu.memory_space<vmem>>[vector<16xi32>], vector<16xf32>,
      %scan3A_69 = arith.constant 4 : i32
      %scan3A_70 = arith.addi %scan3A_31, %scan3A_69 : i32
      %mul3A_71 = arith.constant 16 : i32
      %mul3A_72 = arith.muli %scan3A_70, %mul3A_71 : i32
      %get3A_73 = arith.index_cast %mul3A_72 : i32 to index
      %get3A_74 = tpu.vector_load %arg6[%get3A_73] {strides = array<i32>} : memref<8192xi32, #tpu.memory_space<vmem>>, vector<16xi32>,
      %mul3A_75 = arith.constant 16 : i32
      %mul3A_76 = arith.muli %scan3A_70, %mul3A_75 : i32
      %get3A_77 = arith.index_cast %mul3A_76 : i32 to index
      %get3A_78 = tpu.vector_load %arg7[%get3A_77] {strides = array<i32>} : memref<8192xf32, #tpu.memory_space<vmem>>, vector<16xf32>,
      tpu.vector_store_idx %arg5[%get3A_74], %get3A_78 {add = true} : memref<100000xf32, #tpu.memory_space<vmem>>[vector<16xi32>], vector<16xf32>,
      %scan3A_79 = arith.constant 5 : i32
      %scan3A_80 = arith.addi %scan3A_31, %scan3A_79 : i32
      %mul3A_81 = arith.constant 16 : i32
      %mul3A_82 = arith.muli %scan3A_80, %mul3A_81 : i32
      %get3A_83 = arith.index_cast %mul3A_82 : i32 to index
      %get3A_84 = tpu.vector_load %arg6[%get3A_83] {strides = array<i32>} : memref<8192xi32, #tpu.memory_space<vmem>>, vector<16xi32>,
      %mul3A_85 = arith.constant 16 : i32
      %mul3A_86 = arith.muli %scan3A_80, %mul3A_85 : i32
      %get3A_87 = arith.index_cast %mul3A_86 : i32 to index
      %get3A_88 = tpu.vector_load %arg7[%get3A_87] {strides = array<i32>} : memref<8192xf32, #tpu.memory_space<vmem>>, vector<16xf32>,
      tpu.vector_store_idx %arg5[%get3A_84], %get3A_88 {add = true} : memref<100000xf32, #tpu.memory_space<vmem>>[vector<16xi32>], vector<16xf32>,
      %scan3A_89 = arith.constant 6 : i32
      %scan3A_90 = arith.addi %scan3A_31, %scan3A_89 : i32
      %mul3A_91 = arith.constant 16 : i32
      %mul3A_92 = arith.muli %scan3A_90, %mul3A_91 : i32
      %get3A_93 = arith.index_cast %mul3A_92 : i32 to index
      %get3A_94 = tpu.vector_load %arg6[%get3A_93] {strides = array<i32>} : memref<8192xi32, #tpu.memory_space<vmem>>, vector<16xi32>,
      %mul3A_95 = arith.constant 16 : i32
      %mul3A_96 = arith.muli %scan3A_90, %mul3A_95 : i32
      %get3A_97 = arith.index_cast %mul3A_96 : i32 to index
      %get3A_98 = tpu.vector_load %arg7[%get3A_97] {strides = array<i32>} : memref<8192xf32, #tpu.memory_space<vmem>>, vector<16xf32>,
      tpu.vector_store_idx %arg5[%get3A_94], %get3A_98 {add = true} : memref<100000xf32, #tpu.memory_space<vmem>>[vector<16xi32>], vector<16xf32>,
      %scan3A_99 = arith.constant 7 : i32
      %scan3A_100 = arith.addi %scan3A_31, %scan3A_99 : i32
      %mul3A_101 = arith.constant 16 : i32
      %mul3A_102 = arith.muli %scan3A_100, %mul3A_101 : i32
      %get3A_103 = arith.index_cast %mul3A_102 : i32 to index
      %get3A_104 = tpu.vector_load %arg6[%get3A_103] {strides = array<i32>} : memref<8192xi32, #tpu.memory_space<vmem>>, vector<16xi32>,
      %mul3A_105 = arith.constant 16 : i32
      %mul3A_106 = arith.muli %scan3A_100, %mul3A_105 : i32
      %get3A_107 = arith.index_cast %mul3A_106 : i32 to index
      %get3A_108 = tpu.vector_load %arg7[%get3A_107] {strides = array<i32>} : memref<8192xf32, #tpu.memory_space<vmem>>, vector<16xf32>,
      tpu.vector_store_idx %arg5[%get3A_104], %get3A_108 {add = true} : memref<100000xf32, #tpu.memory_space<vmem>>[vector<16xi32>], vector<16xf32>,
    }
    %scan3A_28 = arith.constant 512 : i32
    %mul3A_29 = arith.constant 100096 : i32
    %mul3A_30 = arith.muli %add3A, %mul3A_29 : i32
    "tpu.region"() ({
      %run_scoped3A = tpu.sem_alloc : memref<!tpu.dma_semaphore, #tpu.memory_space<semaphore_mem>>
      %dma_start3A = tpu.memref_slice %arg4[%mul3A_30] : memref<3203072xf32, #tpu.memory_space<hbm>> -> memref<100000xf32, #tpu.memory_space<hbm>>
      %dma_start3A_31 = tpu.memref_slice %arg4[%mul3A_30] : memref<3203072xf32, #tpu.memory_space<hbm>> -> memref<100000xf32, #tpu.memory_space<hbm>>
      tpu.enqueue_dma source(%arg5 : memref<100000xf32, #tpu.memory_space<vmem>>) target(%dma_start3A_31 : memref<100000xf32, #tpu.memory_space<hbm>>) target_semaphore(%run_scoped3A : memref<!tpu.dma_semaphore, #tpu.memory_space<semaphore_mem>>)
      %dma_wait3A = tpu.memref_slice %arg4[%mul3A_30] : memref<3203072xf32, #tpu.memory_space<hbm>> -> memref<100000xf32, #tpu.memory_space<hbm>>
      %dma_wait3A_32 = tpu.memref_slice %arg4[%mul3A_30] : memref<3203072xf32, #tpu.memory_space<hbm>> -> memref<100000xf32, #tpu.memory_space<hbm>>
      tpu.wait_dma2 semaphore(%run_scoped3A : memref<!tpu.dma_semaphore, #tpu.memory_space<semaphore_mem>>) src(%arg5 : memref<100000xf32, #tpu.memory_space<vmem>>) dst(%dma_wait3A_32 : memref<100000xf32, #tpu.memory_space<hbm>>)
      tpu.yield
    }) : () -> ()
    return
  }
}

module attributes {stable_mosaic.version = 14 : i64} {
  func.func @_addt_a(%arg0: i32, %arg1: memref<8x100000xf32, #tpu.memory_space<vmem>>, %arg2: memref<3203072xf32, #tpu.memory_space<any>>, %arg3: memref<8x100000xf32, #tpu.memory_space<vmem>>, %arg4: memref<8x100096xf32, #tpu.memory_space<vmem>>, %arg5: memref<!tpu.dma_semaphore, #tpu.memory_space<semaphore_mem>>) attributes {dimension_semantics = [#tpu.dimension_semantics<arbitrary>], iteration_bounds = array<i64: 4>, scalar_prefetch = 0 : i64, scratch_operands = 2 : i64, tpu.core_type = #tpu.core_type<tc>, window_params = [{transform_indices = @transform_0, window_bounds = array<i64: 8, 100000>}, {}, {transform_indices = @transform_2, window_bounds = array<i64: 8, 100000>}]} {
    %mul3A = arith.constant 8 : i32
    %mul3A_0 = arith.muli %arg0, %mul3A : i32
    %add3A = arith.constant 0 : i32
    %add3A_1 = arith.addi %mul3A_0, %add3A : i32
    %mul3A_2 = arith.constant 100096 : i32
    %mul3A_3 = arith.muli %add3A_1, %mul3A_2 : i32
    %mul3A_4 = arith.constant 8 : i32
    %mul3A_5 = arith.muli %arg0, %mul3A_4 : i32
    %add3A_6 = arith.constant 1 : i32
    %add3A_7 = arith.addi %mul3A_5, %add3A_6 : i32
    %mul3A_8 = arith.constant 100096 : i32
    %mul3A_9 = arith.muli %add3A_7, %mul3A_8 : i32
    %mul3A_10 = arith.constant 8 : i32
    %mul3A_11 = arith.muli %arg0, %mul3A_10 : i32
    %add3A_12 = arith.constant 2 : i32
    %add3A_13 = arith.addi %mul3A_11, %add3A_12 : i32
    %mul3A_14 = arith.constant 100096 : i32
    %mul3A_15 = arith.muli %add3A_13, %mul3A_14 : i32
    %mul3A_16 = arith.constant 8 : i32
    %mul3A_17 = arith.muli %arg0, %mul3A_16 : i32
    %add3A_18 = arith.constant 3 : i32
    %add3A_19 = arith.addi %mul3A_17, %add3A_18 : i32
    %mul3A_20 = arith.constant 100096 : i32
    %mul3A_21 = arith.muli %add3A_19, %mul3A_20 : i32
    %mul3A_22 = arith.constant 8 : i32
    %mul3A_23 = arith.muli %arg0, %mul3A_22 : i32
    %add3A_24 = arith.constant 4 : i32
    %add3A_25 = arith.addi %mul3A_23, %add3A_24 : i32
    %mul3A_26 = arith.constant 100096 : i32
    %mul3A_27 = arith.muli %add3A_25, %mul3A_26 : i32
    %mul3A_28 = arith.constant 8 : i32
    %mul3A_29 = arith.muli %arg0, %mul3A_28 : i32
    %add3A_30 = arith.constant 5 : i32
    %add3A_31 = arith.addi %mul3A_29, %add3A_30 : i32
    %mul3A_32 = arith.constant 100096 : i32
    %mul3A_33 = arith.muli %add3A_31, %mul3A_32 : i32
    %mul3A_34 = arith.constant 8 : i32
    %mul3A_35 = arith.muli %arg0, %mul3A_34 : i32
    %add3A_36 = arith.constant 6 : i32
    %add3A_37 = arith.addi %mul3A_35, %add3A_36 : i32
    %mul3A_38 = arith.constant 100096 : i32
    %mul3A_39 = arith.muli %add3A_37, %mul3A_38 : i32
    %mul3A_40 = arith.constant 8 : i32
    %mul3A_41 = arith.muli %arg0, %mul3A_40 : i32
    %add3A_42 = arith.constant 7 : i32
    %add3A_43 = arith.addi %mul3A_41, %add3A_42 : i32
    %mul3A_44 = arith.constant 100096 : i32
    %mul3A_45 = arith.muli %add3A_43, %mul3A_44 : i32
    %dma_start3A = arith.constant 0 : i32
    %dma_start3A_46 = arith.constant 0 : i32
    %dma_start3A_47 = tpu.memref_slice %arg4[%dma_start3A, %dma_start3A_46] : memref<8x100096xf32, #tpu.memory_space<vmem>> -> memref<1x100096xf32, #tpu.memory_space<vmem>>
    %dma_start3A_48 = tpu.memref_squeeze %dma_start3A_47 : memref<1x100096xf32, #tpu.memory_space<vmem>> -> memref<100096xf32, #tpu.memory_space<vmem>>
    %dma_start3A_49 = tpu.memref_slice %arg2[%mul3A_3] : memref<3203072xf32, #tpu.memory_space<any>> -> memref<100096xf32, #tpu.memory_space<any>>
    tpu.enqueue_dma source(%dma_start3A_49 : memref<100096xf32, #tpu.memory_space<any>>) target(%dma_start3A_48 : memref<100096xf32, #tpu.memory_space<vmem>>) target_semaphore(%arg5 : memref<!tpu.dma_semaphore, #tpu.memory_space<semaphore_mem>>)
    %dma_start3A_50 = arith.constant 1 : i32
    %dma_start3A_51 = arith.constant 0 : i32
    %dma_start3A_52 = tpu.memref_slice %arg4[%dma_start3A_50, %dma_start3A_51] : memref<8x100096xf32, #tpu.memory_space<vmem>> -> memref<1x100096xf32, #tpu.memory_space<vmem>>
    %dma_start3A_53 = tpu.memref_squeeze %dma_start3A_52 : memref<1x100096xf32, #tpu.memory_space<vmem>> -> memref<100096xf32, #tpu.memory_space<vmem>>
    %dma_start3A_54 = tpu.memref_slice %arg2[%mul3A_9] : memref<3203072xf32, #tpu.memory_space<any>> -> memref<100096xf32, #tpu.memory_space<any>>
    tpu.enqueue_dma source(%dma_start3A_54 : memref<100096xf32, #tpu.memory_space<any>>) target(%dma_start3A_53 : memref<100096xf32, #tpu.memory_space<vmem>>) target_semaphore(%arg5 : memref<!tpu.dma_semaphore, #tpu.memory_space<semaphore_mem>>)
    %dma_start3A_55 = arith.constant 2 : i32
    %dma_start3A_56 = arith.constant 0 : i32
    %dma_start3A_57 = tpu.memref_slice %arg4[%dma_start3A_55, %dma_start3A_56] : memref<8x100096xf32, #tpu.memory_space<vmem>> -> memref<1x100096xf32, #tpu.memory_space<vmem>>
    %dma_start3A_58 = tpu.memref_squeeze %dma_start3A_57 : memref<1x100096xf32, #tpu.memory_space<vmem>> -> memref<100096xf32, #tpu.memory_space<vmem>>
    %dma_start3A_59 = tpu.memref_slice %arg2[%mul3A_15] : memref<3203072xf32, #tpu.memory_space<any>> -> memref<100096xf32, #tpu.memory_space<any>>
    tpu.enqueue_dma source(%dma_start3A_59 : memref<100096xf32, #tpu.memory_space<any>>) target(%dma_start3A_58 : memref<100096xf32, #tpu.memory_space<vmem>>) target_semaphore(%arg5 : memref<!tpu.dma_semaphore, #tpu.memory_space<semaphore_mem>>)
    %dma_start3A_60 = arith.constant 3 : i32
    %dma_start3A_61 = arith.constant 0 : i32
    %dma_start3A_62 = tpu.memref_slice %arg4[%dma_start3A_60, %dma_start3A_61] : memref<8x100096xf32, #tpu.memory_space<vmem>> -> memref<1x100096xf32, #tpu.memory_space<vmem>>
    %dma_start3A_63 = tpu.memref_squeeze %dma_start3A_62 : memref<1x100096xf32, #tpu.memory_space<vmem>> -> memref<100096xf32, #tpu.memory_space<vmem>>
    %dma_start3A_64 = tpu.memref_slice %arg2[%mul3A_21] : memref<3203072xf32, #tpu.memory_space<any>> -> memref<100096xf32, #tpu.memory_space<any>>
    tpu.enqueue_dma source(%dma_start3A_64 : memref<100096xf32, #tpu.memory_space<any>>) target(%dma_start3A_63 : memref<100096xf32, #tpu.memory_space<vmem>>) target_semaphore(%arg5 : memref<!tpu.dma_semaphore, #tpu.memory_space<semaphore_mem>>)
    %dma_start3A_65 = arith.constant 4 : i32
    %dma_start3A_66 = arith.constant 0 : i32
    %dma_start3A_67 = tpu.memref_slice %arg4[%dma_start3A_65, %dma_start3A_66] : memref<8x100096xf32, #tpu.memory_space<vmem>> -> memref<1x100096xf32, #tpu.memory_space<vmem>>
    %dma_start3A_68 = tpu.memref_squeeze %dma_start3A_67 : memref<1x100096xf32, #tpu.memory_space<vmem>> -> memref<100096xf32, #tpu.memory_space<vmem>>
    %dma_start3A_69 = tpu.memref_slice %arg2[%mul3A_27] : memref<3203072xf32, #tpu.memory_space<any>> -> memref<100096xf32, #tpu.memory_space<any>>
    tpu.enqueue_dma source(%dma_start3A_69 : memref<100096xf32, #tpu.memory_space<any>>) target(%dma_start3A_68 : memref<100096xf32, #tpu.memory_space<vmem>>) target_semaphore(%arg5 : memref<!tpu.dma_semaphore, #tpu.memory_space<semaphore_mem>>)
    %dma_start3A_70 = arith.constant 5 : i32
    %dma_start3A_71 = arith.constant 0 : i32
    %dma_start3A_72 = tpu.memref_slice %arg4[%dma_start3A_70, %dma_start3A_71] : memref<8x100096xf32, #tpu.memory_space<vmem>> -> memref<1x100096xf32, #tpu.memory_space<vmem>>
    %dma_start3A_73 = tpu.memref_squeeze %dma_start3A_72 : memref<1x100096xf32, #tpu.memory_space<vmem>> -> memref<100096xf32, #tpu.memory_space<vmem>>
    %dma_start3A_74 = tpu.memref_slice %arg2[%mul3A_33] : memref<3203072xf32, #tpu.memory_space<any>> -> memref<100096xf32, #tpu.memory_space<any>>
    tpu.enqueue_dma source(%dma_start3A_74 : memref<100096xf32, #tpu.memory_space<any>>) target(%dma_start3A_73 : memref<100096xf32, #tpu.memory_space<vmem>>) target_semaphore(%arg5 : memref<!tpu.dma_semaphore, #tpu.memory_space<semaphore_mem>>)
    %dma_start3A_75 = arith.constant 6 : i32
    %dma_start3A_76 = arith.constant 0 : i32
    %dma_start3A_77 = tpu.memref_slice %arg4[%dma_start3A_75, %dma_start3A_76] : memref<8x100096xf32, #tpu.memory_space<vmem>> -> memref<1x100096xf32, #tpu.memory_space<vmem>>
    %dma_start3A_78 = tpu.memref_squeeze %dma_start3A_77 : memref<1x100096xf32, #tpu.memory_space<vmem>> -> memref<100096xf32, #tpu.memory_space<vmem>>
    %dma_start3A_79 = tpu.memref_slice %arg2[%mul3A_39] : memref<3203072xf32, #tpu.memory_space<any>> -> memref<100096xf32, #tpu.memory_space<any>>
    tpu.enqueue_dma source(%dma_start3A_79 : memref<100096xf32, #tpu.memory_space<any>>) target(%dma_start3A_78 : memref<100096xf32, #tpu.memory_space<vmem>>) target_semaphore(%arg5 : memref<!tpu.dma_semaphore, #tpu.memory_space<semaphore_mem>>)
    %dma_start3A_80 = arith.constant 7 : i32
    %dma_start3A_81 = arith.constant 0 : i32
    %dma_start3A_82 = tpu.memref_slice %arg4[%dma_start3A_80, %dma_start3A_81] : memref<8x100096xf32, #tpu.memory_space<vmem>> -> memref<1x100096xf32, #tpu.memory_space<vmem>>
    %dma_start3A_83 = tpu.memref_squeeze %dma_start3A_82 : memref<1x100096xf32, #tpu.memory_space<vmem>> -> memref<100096xf32, #tpu.memory_space<vmem>>
    %dma_start3A_84 = tpu.memref_slice %arg2[%mul3A_45] : memref<3203072xf32, #tpu.memory_space<any>> -> memref<100096xf32, #tpu.memory_space<any>>
    tpu.enqueue_dma source(%dma_start3A_84 : memref<100096xf32, #tpu.memory_space<any>>) target(%dma_start3A_83 : memref<100096xf32, #tpu.memory_space<vmem>>) target_semaphore(%arg5 : memref<!tpu.dma_semaphore, #tpu.memory_space<semaphore_mem>>)
    %dma_wait3A = arith.constant 0 : i32
    %dma_wait3A_85 = arith.constant 0 : i32
    %dma_wait3A_86 = tpu.memref_slice %arg4[%dma_wait3A, %dma_wait3A_85] : memref<8x100096xf32, #tpu.memory_space<vmem>> -> memref<1x100096xf32, #tpu.memory_space<vmem>>
    %dma_wait3A_87 = tpu.memref_squeeze %dma_wait3A_86 : memref<1x100096xf32, #tpu.memory_space<vmem>> -> memref<100096xf32, #tpu.memory_space<vmem>>
    %dma_wait3A_88 = tpu.memref_slice %arg2[%mul3A_3] : memref<3203072xf32, #tpu.memory_space<any>> -> memref<100096xf32, #tpu.memory_space<any>>
    tpu.wait_dma2 semaphore(%arg5 : memref<!tpu.dma_semaphore, #tpu.memory_space<semaphore_mem>>) src(%dma_wait3A_88 : memref<100096xf32, #tpu.memory_space<any>>) dst(%dma_wait3A_87 : memref<100096xf32, #tpu.memory_space<vmem>>)
    %dma_wait3A_89 = arith.constant 1 : i32
    %dma_wait3A_90 = arith.constant 0 : i32
    %dma_wait3A_91 = tpu.memref_slice %arg4[%dma_wait3A_89, %dma_wait3A_90] : memref<8x100096xf32, #tpu.memory_space<vmem>> -> memref<1x100096xf32, #tpu.memory_space<vmem>>
    %dma_wait3A_92 = tpu.memref_squeeze %dma_wait3A_91 : memref<1x100096xf32, #tpu.memory_space<vmem>> -> memref<100096xf32, #tpu.memory_space<vmem>>
    %dma_wait3A_93 = tpu.memref_slice %arg2[%mul3A_9] : memref<3203072xf32, #tpu.memory_space<any>> -> memref<100096xf32, #tpu.memory_space<any>>
    tpu.wait_dma2 semaphore(%arg5 : memref<!tpu.dma_semaphore, #tpu.memory_space<semaphore_mem>>) src(%dma_wait3A_93 : memref<100096xf32, #tpu.memory_space<any>>) dst(%dma_wait3A_92 : memref<100096xf32, #tpu.memory_space<vmem>>)
    %dma_wait3A_94 = arith.constant 2 : i32
    %dma_wait3A_95 = arith.constant 0 : i32
    %dma_wait3A_96 = tpu.memref_slice %arg4[%dma_wait3A_94, %dma_wait3A_95] : memref<8x100096xf32, #tpu.memory_space<vmem>> -> memref<1x100096xf32, #tpu.memory_space<vmem>>
    %dma_wait3A_97 = tpu.memref_squeeze %dma_wait3A_96 : memref<1x100096xf32, #tpu.memory_space<vmem>> -> memref<100096xf32, #tpu.memory_space<vmem>>
    %dma_wait3A_98 = tpu.memref_slice %arg2[%mul3A_15] : memref<3203072xf32, #tpu.memory_space<any>> -> memref<100096xf32, #tpu.memory_space<any>>
    tpu.wait_dma2 semaphore(%arg5 : memref<!tpu.dma_semaphore, #tpu.memory_space<semaphore_mem>>) src(%dma_wait3A_98 : memref<100096xf32, #tpu.memory_space<any>>) dst(%dma_wait3A_97 : memref<100096xf32, #tpu.memory_space<vmem>>)
    %dma_wait3A_99 = arith.constant 3 : i32
    %dma_wait3A_100 = arith.constant 0 : i32
    %dma_wait3A_101 = tpu.memref_slice %arg4[%dma_wait3A_99, %dma_wait3A_100] : memref<8x100096xf32, #tpu.memory_space<vmem>> -> memref<1x100096xf32, #tpu.memory_space<vmem>>
    %dma_wait3A_102 = tpu.memref_squeeze %dma_wait3A_101 : memref<1x100096xf32, #tpu.memory_space<vmem>> -> memref<100096xf32, #tpu.memory_space<vmem>>
    %dma_wait3A_103 = tpu.memref_slice %arg2[%mul3A_21] : memref<3203072xf32, #tpu.memory_space<any>> -> memref<100096xf32, #tpu.memory_space<any>>
    tpu.wait_dma2 semaphore(%arg5 : memref<!tpu.dma_semaphore, #tpu.memory_space<semaphore_mem>>) src(%dma_wait3A_103 : memref<100096xf32, #tpu.memory_space<any>>) dst(%dma_wait3A_102 : memref<100096xf32, #tpu.memory_space<vmem>>)
    %dma_wait3A_104 = arith.constant 4 : i32
    %dma_wait3A_105 = arith.constant 0 : i32
    %dma_wait3A_106 = tpu.memref_slice %arg4[%dma_wait3A_104, %dma_wait3A_105] : memref<8x100096xf32, #tpu.memory_space<vmem>> -> memref<1x100096xf32, #tpu.memory_space<vmem>>
    %dma_wait3A_107 = tpu.memref_squeeze %dma_wait3A_106 : memref<1x100096xf32, #tpu.memory_space<vmem>> -> memref<100096xf32, #tpu.memory_space<vmem>>
    %dma_wait3A_108 = tpu.memref_slice %arg2[%mul3A_27] : memref<3203072xf32, #tpu.memory_space<any>> -> memref<100096xf32, #tpu.memory_space<any>>
    tpu.wait_dma2 semaphore(%arg5 : memref<!tpu.dma_semaphore, #tpu.memory_space<semaphore_mem>>) src(%dma_wait3A_108 : memref<100096xf32, #tpu.memory_space<any>>) dst(%dma_wait3A_107 : memref<100096xf32, #tpu.memory_space<vmem>>)
    %dma_wait3A_109 = arith.constant 5 : i32
    %dma_wait3A_110 = arith.constant 0 : i32
    %dma_wait3A_111 = tpu.memref_slice %arg4[%dma_wait3A_109, %dma_wait3A_110] : memref<8x100096xf32, #tpu.memory_space<vmem>> -> memref<1x100096xf32, #tpu.memory_space<vmem>>
    %dma_wait3A_112 = tpu.memref_squeeze %dma_wait3A_111 : memref<1x100096xf32, #tpu.memory_space<vmem>> -> memref<100096xf32, #tpu.memory_space<vmem>>
    %dma_wait3A_113 = tpu.memref_slice %arg2[%mul3A_33] : memref<3203072xf32, #tpu.memory_space<any>> -> memref<100096xf32, #tpu.memory_space<any>>
    tpu.wait_dma2 semaphore(%arg5 : memref<!tpu.dma_semaphore, #tpu.memory_space<semaphore_mem>>) src(%dma_wait3A_113 : memref<100096xf32, #tpu.memory_space<any>>) dst(%dma_wait3A_112 : memref<100096xf32, #tpu.memory_space<vmem>>)
    %dma_wait3A_114 = arith.constant 6 : i32
    %dma_wait3A_115 = arith.constant 0 : i32
    %dma_wait3A_116 = tpu.memref_slice %arg4[%dma_wait3A_114, %dma_wait3A_115] : memref<8x100096xf32, #tpu.memory_space<vmem>> -> memref<1x100096xf32, #tpu.memory_space<vmem>>
    %dma_wait3A_117 = tpu.memref_squeeze %dma_wait3A_116 : memref<1x100096xf32, #tpu.memory_space<vmem>> -> memref<100096xf32, #tpu.memory_space<vmem>>
    %dma_wait3A_118 = tpu.memref_slice %arg2[%mul3A_39] : memref<3203072xf32, #tpu.memory_space<any>> -> memref<100096xf32, #tpu.memory_space<any>>
    tpu.wait_dma2 semaphore(%arg5 : memref<!tpu.dma_semaphore, #tpu.memory_space<semaphore_mem>>) src(%dma_wait3A_118 : memref<100096xf32, #tpu.memory_space<any>>) dst(%dma_wait3A_117 : memref<100096xf32, #tpu.memory_space<vmem>>)
    %dma_wait3A_119 = arith.constant 7 : i32
    %dma_wait3A_120 = arith.constant 0 : i32
    %dma_wait3A_121 = tpu.memref_slice %arg4[%dma_wait3A_119, %dma_wait3A_120] : memref<8x100096xf32, #tpu.memory_space<vmem>> -> memref<1x100096xf32, #tpu.memory_space<vmem>>
    %dma_wait3A_122 = tpu.memref_squeeze %dma_wait3A_121 : memref<1x100096xf32, #tpu.memory_space<vmem>> -> memref<100096xf32, #tpu.memory_space<vmem>>
    %dma_wait3A_123 = tpu.memref_slice %arg2[%mul3A_45] : memref<3203072xf32, #tpu.memory_space<any>> -> memref<100096xf32, #tpu.memory_space<any>>
    tpu.wait_dma2 semaphore(%arg5 : memref<!tpu.dma_semaphore, #tpu.memory_space<semaphore_mem>>) src(%dma_wait3A_123 : memref<100096xf32, #tpu.memory_space<any>>) dst(%dma_wait3A_122 : memref<100096xf32, #tpu.memory_space<vmem>>)
    %get3A = arith.constant 0 : index
    %get3A_124 = arith.constant 0 : index
    %get3A_125 = vector.load %arg1[%get3A, %get3A_124] : memref<8x100000xf32, #tpu.memory_space<vmem>>, vector<8x100000xf32>
    %get3A_126 = arith.constant 0 : index
    %get3A_127 = arith.constant 0 : index
    %get3A_128 = vector.load %arg4[%get3A_126, %get3A_127] : memref<8x100096xf32, #tpu.memory_space<vmem>>, vector<8x100000xf32>
    %add3A_129 = arith.addf %get3A_125, %get3A_128 : vector<8x100000xf32>
    %swap3A = arith.constant 0 : index
    %swap3A_130 = arith.constant 0 : index
    %swap3A_131 = vector.load %arg3[%swap3A, %swap3A_130] : memref<8x100000xf32, #tpu.memory_space<vmem>>, vector<8x100000xf32>
    tpu.vector_store %arg3[%swap3A, %swap3A_130], %add3A_129 {strides = array<i32>} : memref<8x100000xf32, #tpu.memory_space<vmem>>, vector<8x100000xf32>,
    return
  }
  func.func @transform_0(%arg0: i32) -> (i32, i32) {
    %c0_i32 = arith.constant 0 : i32
    %c0_i32_0 = arith.constant 0 : i32
    return %arg0, %c0_i32 : i32, i32
  }
  func.func @transform_2(%arg0: i32) -> (i32, i32) {
    %c0_i32 = arith.constant 0 : i32
    %c0_i32_0 = arith.constant 0 : i32
    return %arg0, %c0_i32 : i32, i32
  }
}

module attributes {stable_mosaic.version = 14 : i64} {
  func.func @_addt_b(%arg0: i32, %arg1: memref<8x100000xf32, #tpu.memory_space<vmem>>, %arg2: memref<3203072xf32, #tpu.memory_space<any>>, %arg3: memref<64x100000xf32, #tpu.memory_space<any>>, %arg4: memref<8x100000xf32, #tpu.memory_space<vmem>>, %arg5: memref<8x100096xf32, #tpu.memory_space<vmem>>, %arg6: memref<!tpu.dma_semaphore, #tpu.memory_space<semaphore_mem>>) attributes {dimension_semantics = [#tpu.dimension_semantics<arbitrary>], iteration_bounds = array<i64: 4>, scalar_prefetch = 0 : i64, scratch_operands = 2 : i64, tpu.core_type = #tpu.core_type<tc>, window_params = [{transform_indices = @transform_0, window_bounds = array<i64: 8, 100000>}, {}, {}, {transform_indices = @transform_3, window_bounds = array<i64: 8, 100000>}]} {
    %mul3A = arith.constant 8 : i32
    %mul3A_0 = arith.muli %arg0, %mul3A : i32
    %add3A = arith.constant 0 : i32
    %add3A_1 = arith.addi %mul3A_0, %add3A : i32
    %mul3A_2 = arith.constant 100096 : i32
    %mul3A_3 = arith.muli %add3A_1, %mul3A_2 : i32
    %mul3A_4 = arith.constant 8 : i32
    %mul3A_5 = arith.muli %arg0, %mul3A_4 : i32
    %add3A_6 = arith.constant 1 : i32
    %add3A_7 = arith.addi %mul3A_5, %add3A_6 : i32
    %mul3A_8 = arith.constant 100096 : i32
    %mul3A_9 = arith.muli %add3A_7, %mul3A_8 : i32
    %mul3A_10 = arith.constant 8 : i32
    %mul3A_11 = arith.muli %arg0, %mul3A_10 : i32
    %add3A_12 = arith.constant 2 : i32
    %add3A_13 = arith.addi %mul3A_11, %add3A_12 : i32
    %mul3A_14 = arith.constant 100096 : i32
    %mul3A_15 = arith.muli %add3A_13, %mul3A_14 : i32
    %mul3A_16 = arith.constant 8 : i32
    %mul3A_17 = arith.muli %arg0, %mul3A_16 : i32
    %add3A_18 = arith.constant 3 : i32
    %add3A_19 = arith.addi %mul3A_17, %add3A_18 : i32
    %mul3A_20 = arith.constant 100096 : i32
    %mul3A_21 = arith.muli %add3A_19, %mul3A_20 : i32
    %mul3A_22 = arith.constant 8 : i32
    %mul3A_23 = arith.muli %arg0, %mul3A_22 : i32
    %add3A_24 = arith.constant 4 : i32
    %add3A_25 = arith.addi %mul3A_23, %add3A_24 : i32
    %mul3A_26 = arith.constant 100096 : i32
    %mul3A_27 = arith.muli %add3A_25, %mul3A_26 : i32
    %mul3A_28 = arith.constant 8 : i32
    %mul3A_29 = arith.muli %arg0, %mul3A_28 : i32
    %add3A_30 = arith.constant 5 : i32
    %add3A_31 = arith.addi %mul3A_29, %add3A_30 : i32
    %mul3A_32 = arith.constant 100096 : i32
    %mul3A_33 = arith.muli %add3A_31, %mul3A_32 : i32
    %mul3A_34 = arith.constant 8 : i32
    %mul3A_35 = arith.muli %arg0, %mul3A_34 : i32
    %add3A_36 = arith.constant 6 : i32
    %add3A_37 = arith.addi %mul3A_35, %add3A_36 : i32
    %mul3A_38 = arith.constant 100096 : i32
    %mul3A_39 = arith.muli %add3A_37, %mul3A_38 : i32
    %mul3A_40 = arith.constant 8 : i32
    %mul3A_41 = arith.muli %arg0, %mul3A_40 : i32
    %add3A_42 = arith.constant 7 : i32
    %add3A_43 = arith.addi %mul3A_41, %add3A_42 : i32
    %mul3A_44 = arith.constant 100096 : i32
    %mul3A_45 = arith.muli %add3A_43, %mul3A_44 : i32
    %dma_start3A = arith.constant 0 : i32
    %dma_start3A_46 = arith.constant 0 : i32
    %dma_start3A_47 = tpu.memref_slice %arg5[%dma_start3A, %dma_start3A_46] : memref<8x100096xf32, #tpu.memory_space<vmem>> -> memref<1x100096xf32, #tpu.memory_space<vmem>>
    %dma_start3A_48 = tpu.memref_squeeze %dma_start3A_47 : memref<1x100096xf32, #tpu.memory_space<vmem>> -> memref<100096xf32, #tpu.memory_space<vmem>>
    %dma_start3A_49 = tpu.memref_slice %arg2[%mul3A_3] : memref<3203072xf32, #tpu.memory_space<any>> -> memref<100096xf32, #tpu.memory_space<any>>
    tpu.enqueue_dma source(%dma_start3A_49 : memref<100096xf32, #tpu.memory_space<any>>) target(%dma_start3A_48 : memref<100096xf32, #tpu.memory_space<vmem>>) target_semaphore(%arg6 : memref<!tpu.dma_semaphore, #tpu.memory_space<semaphore_mem>>)
    %dma_start3A_50 = arith.constant 1 : i32
    %dma_start3A_51 = arith.constant 0 : i32
    %dma_start3A_52 = tpu.memref_slice %arg5[%dma_start3A_50, %dma_start3A_51] : memref<8x100096xf32, #tpu.memory_space<vmem>> -> memref<1x100096xf32, #tpu.memory_space<vmem>>
    %dma_start3A_53 = tpu.memref_squeeze %dma_start3A_52 : memref<1x100096xf32, #tpu.memory_space<vmem>> -> memref<100096xf32, #tpu.memory_space<vmem>>
    %dma_start3A_54 = tpu.memref_slice %arg2[%mul3A_9] : memref<3203072xf32, #tpu.memory_space<any>> -> memref<100096xf32, #tpu.memory_space<any>>
    tpu.enqueue_dma source(%dma_start3A_54 : memref<100096xf32, #tpu.memory_space<any>>) target(%dma_start3A_53 : memref<100096xf32, #tpu.memory_space<vmem>>) target_semaphore(%arg6 : memref<!tpu.dma_semaphore, #tpu.memory_space<semaphore_mem>>)
    %dma_start3A_55 = arith.constant 2 : i32
    %dma_start3A_56 = arith.constant 0 : i32
    %dma_start3A_57 = tpu.memref_slice %arg5[%dma_start3A_55, %dma_start3A_56] : memref<8x100096xf32, #tpu.memory_space<vmem>> -> memref<1x100096xf32, #tpu.memory_space<vmem>>
    %dma_start3A_58 = tpu.memref_squeeze %dma_start3A_57 : memref<1x100096xf32, #tpu.memory_space<vmem>> -> memref<100096xf32, #tpu.memory_space<vmem>>
    %dma_start3A_59 = tpu.memref_slice %arg2[%mul3A_15] : memref<3203072xf32, #tpu.memory_space<any>> -> memref<100096xf32, #tpu.memory_space<any>>
    tpu.enqueue_dma source(%dma_start3A_59 : memref<100096xf32, #tpu.memory_space<any>>) target(%dma_start3A_58 : memref<100096xf32, #tpu.memory_space<vmem>>) target_semaphore(%arg6 : memref<!tpu.dma_semaphore, #tpu.memory_space<semaphore_mem>>)
    %dma_start3A_60 = arith.constant 3 : i32
    %dma_start3A_61 = arith.constant 0 : i32
    %dma_start3A_62 = tpu.memref_slice %arg5[%dma_start3A_60, %dma_start3A_61] : memref<8x100096xf32, #tpu.memory_space<vmem>> -> memref<1x100096xf32, #tpu.memory_space<vmem>>
    %dma_start3A_63 = tpu.memref_squeeze %dma_start3A_62 : memref<1x100096xf32, #tpu.memory_space<vmem>> -> memref<100096xf32, #tpu.memory_space<vmem>>
    %dma_start3A_64 = tpu.memref_slice %arg2[%mul3A_21] : memref<3203072xf32, #tpu.memory_space<any>> -> memref<100096xf32, #tpu.memory_space<any>>
    tpu.enqueue_dma source(%dma_start3A_64 : memref<100096xf32, #tpu.memory_space<any>>) target(%dma_start3A_63 : memref<100096xf32, #tpu.memory_space<vmem>>) target_semaphore(%arg6 : memref<!tpu.dma_semaphore, #tpu.memory_space<semaphore_mem>>)
    %dma_start3A_65 = arith.constant 4 : i32
    %dma_start3A_66 = arith.constant 0 : i32
    %dma_start3A_67 = tpu.memref_slice %arg5[%dma_start3A_65, %dma_start3A_66] : memref<8x100096xf32, #tpu.memory_space<vmem>> -> memref<1x100096xf32, #tpu.memory_space<vmem>>
    %dma_start3A_68 = tpu.memref_squeeze %dma_start3A_67 : memref<1x100096xf32, #tpu.memory_space<vmem>> -> memref<100096xf32, #tpu.memory_space<vmem>>
    %dma_start3A_69 = tpu.memref_slice %arg2[%mul3A_27] : memref<3203072xf32, #tpu.memory_space<any>> -> memref<100096xf32, #tpu.memory_space<any>>
    tpu.enqueue_dma source(%dma_start3A_69 : memref<100096xf32, #tpu.memory_space<any>>) target(%dma_start3A_68 : memref<100096xf32, #tpu.memory_space<vmem>>) target_semaphore(%arg6 : memref<!tpu.dma_semaphore, #tpu.memory_space<semaphore_mem>>)
    %dma_start3A_70 = arith.constant 5 : i32
    %dma_start3A_71 = arith.constant 0 : i32
    %dma_start3A_72 = tpu.memref_slice %arg5[%dma_start3A_70, %dma_start3A_71] : memref<8x100096xf32, #tpu.memory_space<vmem>> -> memref<1x100096xf32, #tpu.memory_space<vmem>>
    %dma_start3A_73 = tpu.memref_squeeze %dma_start3A_72 : memref<1x100096xf32, #tpu.memory_space<vmem>> -> memref<100096xf32, #tpu.memory_space<vmem>>
    %dma_start3A_74 = tpu.memref_slice %arg2[%mul3A_33] : memref<3203072xf32, #tpu.memory_space<any>> -> memref<100096xf32, #tpu.memory_space<any>>
    tpu.enqueue_dma source(%dma_start3A_74 : memref<100096xf32, #tpu.memory_space<any>>) target(%dma_start3A_73 : memref<100096xf32, #tpu.memory_space<vmem>>) target_semaphore(%arg6 : memref<!tpu.dma_semaphore, #tpu.memory_space<semaphore_mem>>)
    %dma_start3A_75 = arith.constant 6 : i32
    %dma_start3A_76 = arith.constant 0 : i32
    %dma_start3A_77 = tpu.memref_slice %arg5[%dma_start3A_75, %dma_start3A_76] : memref<8x100096xf32, #tpu.memory_space<vmem>> -> memref<1x100096xf32, #tpu.memory_space<vmem>>
    %dma_start3A_78 = tpu.memref_squeeze %dma_start3A_77 : memref<1x100096xf32, #tpu.memory_space<vmem>> -> memref<100096xf32, #tpu.memory_space<vmem>>
    %dma_start3A_79 = tpu.memref_slice %arg2[%mul3A_39] : memref<3203072xf32, #tpu.memory_space<any>> -> memref<100096xf32, #tpu.memory_space<any>>
    tpu.enqueue_dma source(%dma_start3A_79 : memref<100096xf32, #tpu.memory_space<any>>) target(%dma_start3A_78 : memref<100096xf32, #tpu.memory_space<vmem>>) target_semaphore(%arg6 : memref<!tpu.dma_semaphore, #tpu.memory_space<semaphore_mem>>)
    %dma_start3A_80 = arith.constant 7 : i32
    %dma_start3A_81 = arith.constant 0 : i32
    %dma_start3A_82 = tpu.memref_slice %arg5[%dma_start3A_80, %dma_start3A_81] : memref<8x100096xf32, #tpu.memory_space<vmem>> -> memref<1x100096xf32, #tpu.memory_space<vmem>>
    %dma_start3A_83 = tpu.memref_squeeze %dma_start3A_82 : memref<1x100096xf32, #tpu.memory_space<vmem>> -> memref<100096xf32, #tpu.memory_space<vmem>>
    %dma_start3A_84 = tpu.memref_slice %arg2[%mul3A_45] : memref<3203072xf32, #tpu.memory_space<any>> -> memref<100096xf32, #tpu.memory_space<any>>
    tpu.enqueue_dma source(%dma_start3A_84 : memref<100096xf32, #tpu.memory_space<any>>) target(%dma_start3A_83 : memref<100096xf32, #tpu.memory_space<vmem>>) target_semaphore(%arg6 : memref<!tpu.dma_semaphore, #tpu.memory_space<semaphore_mem>>)
    %dma_wait3A = arith.constant 0 : i32
    %dma_wait3A_85 = arith.constant 0 : i32
    %dma_wait3A_86 = tpu.memref_slice %arg5[%dma_wait3A, %dma_wait3A_85] : memref<8x100096xf32, #tpu.memory_space<vmem>> -> memref<1x100096xf32, #tpu.memory_space<vmem>>
    %dma_wait3A_87 = tpu.memref_squeeze %dma_wait3A_86 : memref<1x100096xf32, #tpu.memory_space<vmem>> -> memref<100096xf32, #tpu.memory_space<vmem>>
    %dma_wait3A_88 = tpu.memref_slice %arg2[%mul3A_3] : memref<3203072xf32, #tpu.memory_space<any>> -> memref<100096xf32, #tpu.memory_space<any>>
    tpu.wait_dma2 semaphore(%arg6 : memref<!tpu.dma_semaphore, #tpu.memory_space<semaphore_mem>>) src(%dma_wait3A_88 : memref<100096xf32, #tpu.memory_space<any>>) dst(%dma_wait3A_87 : memref<100096xf32, #tpu.memory_space<vmem>>)
    %dma_wait3A_89 = arith.constant 1 : i32
    %dma_wait3A_90 = arith.constant 0 : i32
    %dma_wait3A_91 = tpu.memref_slice %arg5[%dma_wait3A_89, %dma_wait3A_90] : memref<8x100096xf32, #tpu.memory_space<vmem>> -> memref<1x100096xf32, #tpu.memory_space<vmem>>
    %dma_wait3A_92 = tpu.memref_squeeze %dma_wait3A_91 : memref<1x100096xf32, #tpu.memory_space<vmem>> -> memref<100096xf32, #tpu.memory_space<vmem>>
    %dma_wait3A_93 = tpu.memref_slice %arg2[%mul3A_9] : memref<3203072xf32, #tpu.memory_space<any>> -> memref<100096xf32, #tpu.memory_space<any>>
    tpu.wait_dma2 semaphore(%arg6 : memref<!tpu.dma_semaphore, #tpu.memory_space<semaphore_mem>>) src(%dma_wait3A_93 : memref<100096xf32, #tpu.memory_space<any>>) dst(%dma_wait3A_92 : memref<100096xf32, #tpu.memory_space<vmem>>)
    %dma_wait3A_94 = arith.constant 2 : i32
    %dma_wait3A_95 = arith.constant 0 : i32
    %dma_wait3A_96 = tpu.memref_slice %arg5[%dma_wait3A_94, %dma_wait3A_95] : memref<8x100096xf32, #tpu.memory_space<vmem>> -> memref<1x100096xf32, #tpu.memory_space<vmem>>
    %dma_wait3A_97 = tpu.memref_squeeze %dma_wait3A_96 : memref<1x100096xf32, #tpu.memory_space<vmem>> -> memref<100096xf32, #tpu.memory_space<vmem>>
    %dma_wait3A_98 = tpu.memref_slice %arg2[%mul3A_15] : memref<3203072xf32, #tpu.memory_space<any>> -> memref<100096xf32, #tpu.memory_space<any>>
    tpu.wait_dma2 semaphore(%arg6 : memref<!tpu.dma_semaphore, #tpu.memory_space<semaphore_mem>>) src(%dma_wait3A_98 : memref<100096xf32, #tpu.memory_space<any>>) dst(%dma_wait3A_97 : memref<100096xf32, #tpu.memory_space<vmem>>)
    %dma_wait3A_99 = arith.constant 3 : i32
    %dma_wait3A_100 = arith.constant 0 : i32
    %dma_wait3A_101 = tpu.memref_slice %arg5[%dma_wait3A_99, %dma_wait3A_100] : memref<8x100096xf32, #tpu.memory_space<vmem>> -> memref<1x100096xf32, #tpu.memory_space<vmem>>
    %dma_wait3A_102 = tpu.memref_squeeze %dma_wait3A_101 : memref<1x100096xf32, #tpu.memory_space<vmem>> -> memref<100096xf32, #tpu.memory_space<vmem>>
    %dma_wait3A_103 = tpu.memref_slice %arg2[%mul3A_21] : memref<3203072xf32, #tpu.memory_space<any>> -> memref<100096xf32, #tpu.memory_space<any>>
    tpu.wait_dma2 semaphore(%arg6 : memref<!tpu.dma_semaphore, #tpu.memory_space<semaphore_mem>>) src(%dma_wait3A_103 : memref<100096xf32, #tpu.memory_space<any>>) dst(%dma_wait3A_102 : memref<100096xf32, #tpu.memory_space<vmem>>)
    %dma_wait3A_104 = arith.constant 4 : i32
    %dma_wait3A_105 = arith.constant 0 : i32
    %dma_wait3A_106 = tpu.memref_slice %arg5[%dma_wait3A_104, %dma_wait3A_105] : memref<8x100096xf32, #tpu.memory_space<vmem>> -> memref<1x100096xf32, #tpu.memory_space<vmem>>
    %dma_wait3A_107 = tpu.memref_squeeze %dma_wait3A_106 : memref<1x100096xf32, #tpu.memory_space<vmem>> -> memref<100096xf32, #tpu.memory_space<vmem>>
    %dma_wait3A_108 = tpu.memref_slice %arg2[%mul3A_27] : memref<3203072xf32, #tpu.memory_space<any>> -> memref<100096xf32, #tpu.memory_space<any>>
    tpu.wait_dma2 semaphore(%arg6 : memref<!tpu.dma_semaphore, #tpu.memory_space<semaphore_mem>>) src(%dma_wait3A_108 : memref<100096xf32, #tpu.memory_space<any>>) dst(%dma_wait3A_107 : memref<100096xf32, #tpu.memory_space<vmem>>)
    %dma_wait3A_109 = arith.constant 5 : i32
    %dma_wait3A_110 = arith.constant 0 : i32
    %dma_wait3A_111 = tpu.memref_slice %arg5[%dma_wait3A_109, %dma_wait3A_110] : memref<8x100096xf32, #tpu.memory_space<vmem>> -> memref<1x100096xf32, #tpu.memory_space<vmem>>
    %dma_wait3A_112 = tpu.memref_squeeze %dma_wait3A_111 : memref<1x100096xf32, #tpu.memory_space<vmem>> -> memref<100096xf32, #tpu.memory_space<vmem>>
    %dma_wait3A_113 = tpu.memref_slice %arg2[%mul3A_33] : memref<3203072xf32, #tpu.memory_space<any>> -> memref<100096xf32, #tpu.memory_space<any>>
    tpu.wait_dma2 semaphore(%arg6 : memref<!tpu.dma_semaphore, #tpu.memory_space<semaphore_mem>>) src(%dma_wait3A_113 : memref<100096xf32, #tpu.memory_space<any>>) dst(%dma_wait3A_112 : memref<100096xf32, #tpu.memory_space<vmem>>)
    %dma_wait3A_114 = arith.constant 6 : i32
    %dma_wait3A_115 = arith.constant 0 : i32
    %dma_wait3A_116 = tpu.memref_slice %arg5[%dma_wait3A_114, %dma_wait3A_115] : memref<8x100096xf32, #tpu.memory_space<vmem>> -> memref<1x100096xf32, #tpu.memory_space<vmem>>
    %dma_wait3A_117 = tpu.memref_squeeze %dma_wait3A_116 : memref<1x100096xf32, #tpu.memory_space<vmem>> -> memref<100096xf32, #tpu.memory_space<vmem>>
    %dma_wait3A_118 = tpu.memref_slice %arg2[%mul3A_39] : memref<3203072xf32, #tpu.memory_space<any>> -> memref<100096xf32, #tpu.memory_space<any>>
    tpu.wait_dma2 semaphore(%arg6 : memref<!tpu.dma_semaphore, #tpu.memory_space<semaphore_mem>>) src(%dma_wait3A_118 : memref<100096xf32, #tpu.memory_space<any>>) dst(%dma_wait3A_117 : memref<100096xf32, #tpu.memory_space<vmem>>)
    %dma_wait3A_119 = arith.constant 7 : i32
    %dma_wait3A_120 = arith.constant 0 : i32
    %dma_wait3A_121 = tpu.memref_slice %arg5[%dma_wait3A_119, %dma_wait3A_120] : memref<8x100096xf32, #tpu.memory_space<vmem>> -> memref<1x100096xf32, #tpu.memory_space<vmem>>
    %dma_wait3A_122 = tpu.memref_squeeze %dma_wait3A_121 : memref<1x100096xf32, #tpu.memory_space<vmem>> -> memref<100096xf32, #tpu.memory_space<vmem>>
    %dma_wait3A_123 = tpu.memref_slice %arg2[%mul3A_45] : memref<3203072xf32, #tpu.memory_space<any>> -> memref<100096xf32, #tpu.memory_space<any>>
    tpu.wait_dma2 semaphore(%arg6 : memref<!tpu.dma_semaphore, #tpu.memory_space<semaphore_mem>>) src(%dma_wait3A_123 : memref<100096xf32, #tpu.memory_space<any>>) dst(%dma_wait3A_122 : memref<100096xf32, #tpu.memory_space<vmem>>)
    %get3A = arith.constant 0 : index
    %get3A_124 = arith.constant 0 : index
    %get3A_125 = vector.load %arg1[%get3A, %get3A_124] : memref<8x100000xf32, #tpu.memory_space<vmem>>, vector<8x100000xf32>
    %get3A_126 = arith.constant 0 : index
    %get3A_127 = arith.constant 0 : index
    %get3A_128 = vector.load %arg5[%get3A_126, %get3A_127] : memref<8x100096xf32, #tpu.memory_space<vmem>>, vector<8x100000xf32>
    %add3A_129 = arith.addf %get3A_125, %get3A_128 : vector<8x100000xf32>
    %swap3A = arith.constant 0 : index
    %swap3A_130 = arith.constant 0 : index
    %swap3A_131 = vector.load %arg4[%swap3A, %swap3A_130] : memref<8x100000xf32, #tpu.memory_space<vmem>>, vector<8x100000xf32>
    tpu.vector_store %arg4[%swap3A, %swap3A_130], %add3A_129 {strides = array<i32>} : memref<8x100000xf32, #tpu.memory_space<vmem>>, vector<8x100000xf32>,
    return
  }
  func.func @transform_0(%arg0: i32) -> (i32, i32) {
    %add3A = arith.constant 4 : i32
    %add3A_0 = arith.addi %arg0, %add3A : i32
    %c0_i32 = arith.constant 0 : i32
    %c0_i32_1 = arith.constant 0 : i32
    return %add3A_0, %c0_i32 : i32, i32
  }
  func.func @transform_3(%arg0: i32) -> (i32, i32) {
    %add3A = arith.constant 4 : i32
    %add3A_0 = arith.addi %arg0, %add3A : i32
    %c0_i32 = arith.constant 0 : i32
    %c0_i32_1 = arith.constant 0 : i32
    return %add3A_0, %c0_i32 : i32, i32
  }
}

</mosaic_0001>

<sc_bundles>
// kernel: kernel.6.cloned.1.call-start
scs
__scs_entry_jumppad:
0x0: {  	(pc) =	sbr.rel $0x88, $3  }
0x1: {  	(tag) =	ssettag $0x0;
	lr =	simm.s32 $0x1  }
0x2: {  	[smem:$0x3F9E] =	sst lr;
	_ =	strace $0xD0000000  }
0x3: {  	_ = 	snop  }
0x4: {  	_ = 	snop  }
0x5: {  	_ = 	snop  }
0x6: {  	_ = 	snop  }
0x7: {  	_ = 	snop  }
__scs_overlays_trampoline_lowered:
0x8: {  	[smem:$0x3FAD] =	sst s0  }
0x9: {  	[smem:$0x3FAE] =	sst s1  }
0xa: {  	[smem:$0x3FAF] =	sst s2  }
0xb: {  	[smem:$0x3FB0] =	sst s3  }
0xc: {  	[smem:$0x3FB1] =	sst s4  }
0xd: {  	[smem:$0x3FB2] =	sst s5  }
0xe: {  	[smem:$0x3FB3] =	sst s6  }
0xf: {  	[smem:$0x3FB4] =	sst s7  }
0x10: {  	[smem:$0x3FB5] =	sst s8  }
0x11: {  	[smem:$0x3FB6] =	sst s9;
	s0 =	simm.s32 @!p0 $0x0  }
0x12: {  	s1 =	sld [smem:$0x3F9C];
	s0 =	simm.s32 @p0 $0x1  }
0x13: {  	[smem:$0x3FB7] =	sst s0;
	s0 =	simm.s32 @!p1 $0x0  }
0x14: {  	s2 =	sld [smem:$0x3F9B];
	s0 =	simm.s32 @p1 $0x1  }
0x15: {  	[smem:$0x3FB8] =	sst s0;
	s0 =	simm.s32 @!p2 $0x0  }
0x16: {  	s3 =	sld [smem:$0x3FDB];
	s0 =	simm.s32 @p2 $0x1  }
0x17: {  	s4 =	simm.s32 $0x1BF5;
	[smem:$0x3FBA] =	sst s0  }
0x18: {  	s0 =	sld [smem:$0x3F9D];
	_ =	swait.ge [sflag:s4], $0x0  }
0x19: {  	s7 =	sld [smem:$0x3F9E]  }
0x1a: {  	s8 =	sadd.s32 $0xFFFFE003, lr  }
0x1b: {  	s9 =	sadd.s32 $0xFFFFFEF7, lr;
	s5 =	simm.s32 $0xFFFFFFFF;
	p2 =	slt.u32 s8, $0xFFFFF086  }
0x1c: {  	p1 =	slt.u32 s9, $0xF7A;
	s5 =	simm.s32 @!p2 $0x0  }
0x1d: {  	s5 =	simm.s32 @p1 $0x1;
	p0 =	seq.s32 s7, s2  }
0x1e: {  	s7 =	smul.u32 @!p0 $0xF7A, s2;
	p2 =	seq.s32 @!p0 s5, $0x0  }
0x1f: {  	s9 =	smul.u32 $0xF7A, s1;
	s8 =	simm.s32 @!p0 $0x1BF5;
	p2 =	por !p2, p0  }
0x20: {  	[sflag:s8] =	ssyncset.s32 @!p0 $0xFFFFF086;
	s6 =	sadd.s32 @!p0 s3, s7;
	s7 =	simm.s32 @!p0 $0x108  }
0x21: {  	s3 =	sadd.s32 s3, s9;
	s6 =	sadd.s32 @!p0 $0x88, s6;
	s7 =	simm.s32 @p2 $0x1082  }
0x22: {  	[simem:s7], [sflag:s8] =	dma.local @!p0 [hbm:s6], $0xF7A  }
0x23: {  	s9 =	sor.u32 $0xD0000000, s2;
	s6 =	simm.s32 $0x108;
	_ =	swait.ge @!p0 [sflag:s8], $0x0  }
0x24: {  	s3 =	sadd.s32 $0x88, s3;
	s6 =	simm.s32 @!p1 $0x1082;
	[sflag:s4] =	ssyncset.s32 $0xFFFFF086  }
0x25: {  	[simem:s6], [sflag:s4] =	dma.local [hbm:s3], $0xF7A  }
0x26: {  	[smem:$0x3F9E] =	sst s1;
	(tag) =	ssettag s2;
	_ =	strace s9  }
0x27: {  	s1 =	sld [smem:$0x3FAE]  }
0x28: {  	s2 =	sld [smem:$0x3FAF]  }
0x29: {  	s4 =	sld [smem:$0x3FB1]  }
0x2a: {  	p0 =	seq.s32 s5, $0x0;
	s5 =	sld [smem:$0x3FB2]  }
0x2b: {  	s6 =	sld [smem:$0x3FB3]  }
0x2c: {  	s7 =	sld [smem:$0x3FB4]  }
0x2d: {  	s3 =	simm.s32 $0x108;
	s8 =	sld [smem:$0x3FB5]  }
0x2e: {  	s3 =	simm.s32 @!p0 $0x1082;
	s9 =	sld [smem:$0x3FB6]  }
0x2f: {  	lr =	sadd.s32 s0, s3;
	s0 =	sld [smem:$0x3FAD]  }
0x30: {  	s3 =	sld [smem:$0x3FB0]  }
0x31: {  	[smem:$0x3FB9] =	sst s10  }
0x32: {  	s10 =	sld [smem:$0x3FB7];
	_ =	sdelay $0x3  }
0x33: {  	p0 =	seq.s32 s10, $0x1;
	s10 =	sld [smem:$0x3FB9];
	_ =	sdelay $0x3  }
0x34: {  	[smem:$0x3FB9] =	sst s10  }
0x35: {  	s10 =	sld [smem:$0x3FB8];
	_ =	sdelay $0x3  }
0x36: {  	p1 =	seq.s32 s10, $0x1;
	s10 =	sld [smem:$0x3FB9];
	_ =	sdelay $0x3  }
0x37: {  	[smem:$0x3FB9] =	sst s10  }
0x38: {  	s10 =	sld [smem:$0x3FBA]  }
0x39: {  	_ = 	snop;
	(pc) =	sbr.ind lr, $3  }
0x3a: {  	_ = 	snop  }
0x3b: {  	_ = 	snop  }
0x3c: {  	p2 =	seq.s32 s10, $0x1;
	s10 =	sld [smem:$0x3FB9]  }
0x3d: {  	_ =	shalt  }
0x3e: {  	_ =	shalt  }
0x3f: {  	_ =	shalt  }
0x40: {  	_ =	shalt  }
0x41: {  	_ =	shalt  }
0x42: {  	_ =	shalt  }
0x43: {  	_ =	shalt  }
0x44: {  	_ =	shalt  }
0x45: {  	_ =	shalt  }
0x46: {  	_ =	shalt  }
0x47: {  	_ =	shalt  }
0x48: {  	_ =	shalt  }
0x49: {  	_ =	shalt  }
0x4a: {  	_ =	shalt  }
0x4b: {  	_ =	shalt  }
0x4c: {  	_ =	shalt  }
0x4d: {  	_ =	shalt  }
0x4e: {  	_ =	shalt  }
0x4f: {  	_ =	shalt  }
0x50: {  	_ =	shalt  }
0x51: {  	_ =	shalt  }
0x52: {  	_ =	shalt  }
0x53: {  	_ =	shalt  }
0x54: {  	_ =	shalt  }
0x55: {  	_ =	shalt  }
0x56: {  	_ =	shalt  }
0x57: {  	_ =	shalt  }
0x58: {  	_ =	shalt  }
0x59: {  	_ =	shalt  }
0x5a: {  	_ =	shalt  }
0x5b: {  	_ =	shalt  }
0x5c: {  	_ =	shalt  }
0x5d: {  	_ =	shalt  }
0x5e: {  	_ =	shalt  }
0x5f: {  	_ =	shalt  }
0x60: {  	_ =	shalt  }
0x61: {  	_ =	shalt  }
0x62: {  	_ =	shalt  }
0x63: {  	_ =	shalt  }
0x64: {  	_ =	shalt  }
0x65: {  	_ =	shalt  }
0x66: {  	_ =	shalt  }
0x67: {  	_ =	shalt  }
0x68: {  	_ =	shalt  }
0x69: {  	_ =	shalt  }
0x6a: {  	_ =	shalt  }
0x6b: {  	_ =	shalt  }
0x6c: {  	_ =	shalt  }
0x6d: {  	_ =	shalt  }
0x6e: {  	_ =	shalt  }
0x6f: {  	_ =	shalt  }
0x70: {  	_ =	shalt  }
0x71: {  	_ =	shalt  }
0x72: {  	_ =	shalt  }
0x73: {  	_ =	shalt  }
0x74: {  	_ =	shalt  }
0x75: {  	_ =	shalt  }
0x76: {  	_ =	shalt  }
0x77: {  	_ =	shalt  }
0x78: {  	_ =	shalt  }
0x79: {  	_ =	shalt  }
0x7a: {  	_ =	shalt  }
0x7b: {  	_ =	shalt  }
0x7c: {  	_ =	shalt  }
0x7d: {  	_ =	shalt  }
0x7e: {  	_ =	shalt  }
0x7f: {  	_ =	shalt  }
0x80: {  	_ =	shalt  }
0x81: {  	_ =	shalt  }
0x82: {  	_ =	shalt  }
0x83: {  	_ =	shalt  }
0x84: {  	_ =	shalt  }
0x85: {  	_ =	shalt  }
0x86: {  	_ =	shalt  }
0x87: {  	_ =	shalt  }
.Lfunc_end0:
.L_simem_size_0:
called_computation_lowered:
.L_overlay_start_0:
0x88: {  	s2 =	sld [smem:$0x3FD9]  }
0x89: {  	s3 =	sld [smem:$0x3FFE];
	_ =	sdelay $0x1  }
0x8a: {  	s1 =	srdreg.scid  }
0x8b: {  	s0 =	sand.u32 $0x1, s1  }
0x8c: {  	s17 =	sshll.u32 s0, $0xA;
	s2 =	sadd.s32 s3, s2  }
0x8d: {  	s2 =	sadd.s32 s2, s17  }
0x8e: {  	[smem:$0x3FC5] =	sst s2  }
0x8f: {  	_ = 	snop  }
0x90: {  	s2 =	sld [smem:$0x3FD0];
	(tm) =	ssettm $0x1  }
0x91: {  	s18 =	sld [smem:$0x3FFB];
	_ =	sdelay $0x3  }
0x92: {  	_ =	strace s18  }
0x93: {  	s3 =	sld [smem:$0x3FFC];
	_ =	sdelay $0x3  }
0x94: {  	_ =	strace s3  }
0x95: {  	s3 =	sld [smem:$0x3FFD];
	_ =	sdelay $0x3  }
0x96: {  	_ =	strace s3  }
0x97: {  	_ =	strace $0x8FFFFFFF  }
0x98: {  	s19 =	sld [smem:$0x3FDB];
	_ =	sdelay $0x1  }
0x99: {  	s4 =	simm.s32 $_scs_section_size  }
0x9a: {  	s5 =	simm.s32 $_size__tile_overlayer_lowered;
	s6 =	simm.s32 $_tile_overlayer_lowered  }
0x9b: {  	s22 =	simm.s32 $0x1BFF;
	s21 =	sshll.u32 s6, $0x1;
	s3 =	sadd.s32 s4, s19  }
0x9c: {  	s7 =	simm.s32 $0x0;
	s20 =	sshll.u32 s5, $0x1;
	s5 =	sadd.s32 s21, s3  }
0x9d: {  	[timem:s7], [sflag:s22] =	dma.local [hbm:s5], s20  }
0x9e: {  	_ =	swait.ge [sflag:s22], s20  }
0x9f: {  	s4 =	ssub.s32 $0x0, s20;
	[sflag:s22] =	ssyncset.done $0x0  }
0xa0: {  	[sflag:s22] =	ssyncadd.s32 s4;
	_ =	sdelay $0x1  }
0xa1: {  	s23 =	simm.s32 $0x1B8B  }
0xa2: {  	_ =	swait.ge [sflag:s23], $0x1  }
0xa3: {  	[sflag:s23] =	ssyncset.done $0x0  }
0xa4: {  	s25 =	simm.s32 $0x1B8E;
	s24 =	sld [smem:$0x3FFE];
	[sflag:s23] =	ssyncadd.s32 $0xFFFFFFFF  }
0xa5: {  	s26 =	simm.s32 $execute0_lowered;
	[smem:$0x3FD2] =	sst s25  }
0xa6: {  	s5 =	sshll.u32 s26, $0x1;
	_ =	strace $0x80000046;
	[dreg:$0x1] =	wrdreg $0xFFFFFFFF  }
0xa7: {  	s28 =	simm.s32 $_size_execute0_lowered;
	s3 =	sadd.s32 s3, s5;
	[dreg:$0x0] =	wrdreg $0x0  }
0xa8: {  	s5 =	sshll.u32 s28, $0x1;
	[dreg:$0x2] =	wrdreg s3  }
0xa9: {  	[dreg:$0x3] =	wrdreg s5  }
0xaa: {  	[dreg:$0x4] =	wrdreg $0xC0  }
0xab: {  	_ =	task [dreg:s7], $0x5FFFF  }
0xac: {  	[dreg:$0x1] =	wrdreg $0xFFFFFFFF  }
0xad: {  	[dreg:$0x0] =	wrdreg $0x60  }
0xae: {  	[dreg:$0x2] =	wrdreg s24  }
0xaf: {  	[dreg:$0x3] =	wrdreg s2  }
0xb0: {  	[dreg:$0x4] =	wrdreg $0x9  }
0xb1: {  	_ =	task.clear_ibuf [dreg:s7], $0x5FFFF;
	_ =	strace $0x90000046  }
0xb2: {  	s29 =	simm.s32 $0x9;
	_ =	strace $0x80000048  }
0xb3: {  	_ =	swait.ge [sflag:s29], $0x1  }
0xb4: {  	[sflag:s29] =	ssyncadd.s32 $0xFFFFFFFF  }
0xb5: {  	_ =	strace $0x90000048  }
0xb6: {  	_ =	sfence  }
0xb7: {  	s30 =	sld [smem:$0x0];
	_ =	sdelay $0x2  }
0xb8: {  	s31 =	sshll.u32 s1, $0xD;
	s1 =	sshrl.u32 s1, $0x2  }
0xb9: {  	s3 =	sand.u32 $0x4000, s31;
	s1 =	sadd.s32 s1, s30  }
0xba: {  	s0 =	sor.u32 s3, s0;
	s1 =	sshll.u32 s1, $0x11  }
0xbb: {  	s0 =	sor.u32 s1, s0  }
0xbc: {  	s0 =	sadd.s32 $0x8F2B, s0  }
0xbd: {  	[sflag:s0] =	ssyncadd.remote.s32 $0x1  }
0xbe: {  	_ =	sfence.sel $0xFFFF  }
0xbf: {  	[dreg:$0x0] =	wrdreg $0xFFFFFFFF;
	(pc) =	sbr.abs _section_cstart, $3  }
0xc0: {  	[dreg:$0x1] =	wrdreg $0xFFFFFFFF  }
0xc1: {  	_ =	task.clear_ibuf [dreg:s7], $0x2FFFF;
	_ =	strace $0x9FFFFFFF  }
0xc2: {  	(tm) =	ssettm $0x7FFFFFFF  }
0xc3: {  	_ =	shalt  }
tec
execute0_lowered:
.L_overlay_start_1:
0x0: {  	(tag) =	ssettag $0x1  }
0x1: {  	s3 =	rddreg [dreg:$0x0]  }
0x2: {  	s7 =	rddreg [dreg:$0x1]  }
0x3: {  	s0 =	rddreg [dreg:$0x2];
	s2 =	simm.s32 $0x0;
	s4 =	srdreg.scid  }
0x4: {  	s1 =	stileid.u32;
	s12 =	simm.s32 $0x0;
	[smem:$0x7FF] =	sst s2  }
0x5: {  	s4 =	sand.u32 $0x1, s4;
	s6 =	sshll.u32 s1, $0x1;
	s8 =	sadd.s32 $0xC00, s3  }
0x6: {  	s30 =	sadd.s32 $0x20C00, s3;
	s5 =	ssub.s32 $0x2, s4;
	s4 =	sor.u32 s4, s6  }
0x7: {  	_ =	strace $0x80000047;
	s9 =	sshrl.u32 s5, $0x1;
	s31 =	sshll.u32 s4, $0xB  }
0x8: {  	s11 =	smul.u32 $0x30E0, s4;
	s9 =	ssub.s32 s5, s9;
	s10 =	sor.u32 $0x400, s31  }
0x9: {  	s3 =	sadd.s32 s8, s31;
	s4 =	sadd.s32 s30, s31;
	s5 =	sadd.s32 s8, s10  }
0xa: {  	s6 =	sadd.s32 s30, s10;
	s7 =	sadd.s32 s7, s11;
	s8 =	smax.u32 s9, $0x1  }
0xb: {  	v0 =	vimm.f32 $0.0e+00;
	s9 =	simm.s32 $0x18700;
	s10 =	simm.s32 $0x1;
	s11 =	simm.s32 $0x1A700  }
.LBB2_1:
0xc: {  	s13 =	simm.s32 $0xC0  }
0xd: {  	[tilespmem:s13+$0xFFFFFF40] =	vst v0  }
0xe: {  	[tilespmem:s13+$0xFFFFFFB0] =	vst v0  }
0xf: {  	[tilespmem:s13+$0xFFFFFFA0] =	vst v0  }
0x10: {  	[tilespmem:s13+$0xFFFFFF90] =	vst v0  }
0x11: {  	[tilespmem:s13+$0xFFFFFF80] =	vst v0  }
0x12: {  	[tilespmem:s13+$0xFFFFFF70] =	vst v0  }
0x13: {  	[tilespmem:s13+$0xFFFFFF60] =	vst v0  }
0x14: {  	s14 =	sand.u32 $0x1FFF0, s2;
	[tilespmem:s13+$0xFFFFFF50] =	vst v0  }
0x15: {  	[tilespmem:s14+$0x80] =	vst v0  }
0x16: {  	[tilespmem:s13+$0x30] =	vst v0  }
0x17: {  	[tilespmem:s13+$0x20] =	vst v0  }
0x18: {  	s15 =	simm.s32 $0x0;
	s16 =	simm.s32 $0x0;
	s17 =	simm.s32 $0xC0;
	[tilespmem:s13+$0x10] =	vst v0  }
.LBB2_2:
0x19: {  	s15 =	sadd.s32 $0x19, s15;
	[tilespmem:s13+$0x0] =	vst v0;
	s16 =	sadd.s32 $0x190, s16;
	s17 =	sadd.s32 $0x190, s17  }
0x1a: {  	p0 =	slt.u32 s15, $0x1851;
	[tilespmem:s13+$0xFFFFFFF0] =	vst v0  }
0x1b: {  	[tilespmem:s13+$0xFFFFFFD0] =	vst v0  }
0x1c: {  	[tilespmem:s13+$0xFFFFFFE0] =	vst v0  }
0x1d: {  	[tilespmem:s14+$0x100] =	vst v0  }
0x1e: {  	[tilespmem:s13+$0x50] =	vst v0  }
0x1f: {  	[tilespmem:s13+$0xB0] =	vst v0  }
0x20: {  	[tilespmem:s13+$0xA0] =	vst v0  }
0x21: {  	[tilespmem:s13+$0x90] =	vst v0  }
0x22: {  	[tilespmem:s13+$0x80] =	vst v0  }
0x23: {  	[tilespmem:s13+$0x60] =	vst v0  }
0x24: {  	[tilespmem:s13+$0x70] =	vst v0;
	s13 =	smov.u32 s17  }
0x25: {  	[tilespmem:s14+$0x180] =	vst v0  }
0x26: {  	[tilespmem:s17+$0xFFFFFF40] =	vst v0  }
0x27: {  	[tilespmem:s17+$0xFFFFFFB0] =	vst v0  }
0x28: {  	[tilespmem:s17+$0xFFFFFFA0] =	vst v0  }
0x29: {  	[tilespmem:s17+$0xFFFFFF90] =	vst v0  }
0x2a: {  	[tilespmem:s17+$0xFFFFFF80] =	vst v0  }
0x2b: {  	[tilespmem:s17+$0xFFFFFF70] =	vst v0  }
0x2c: {  	[tilespmem:s17+$0xFFFFFF60] =	vst v0  }
.Ltmp0:
0x2d: {  	s14 =	sand.u32 $0x1FFF0, s16;
	[tilespmem:s17+$0xFFFFFF50] =	vst v0;
	(pc) =	sbr.rel @p0 .LBB2_2-.Ltmp0, $4  }
0x2e: {  	[tilespmem:s14+$0x80] =	vst v0  }
0x2f: {  	[tilespmem:s17+$0x30] =	vst v0  }
0x30: {  	[tilespmem:s17+$0x20] =	vst v0  }
0x31: {  	[tilespmem:s17+$0x10] =	vst v0  }
0x32: {  	[tilespmem:s13+$0x0] =	vst v0  }
0x33: {  	[tilespmem:s13+$0xFFFFFFF0] =	vst v0  }
0x34: {  	[tilespmem:s13+$0xFFFFFFD0] =	vst v0  }
0x35: {  	[tilespmem:s13+$0xFFFFFFE0] =	vst v0  }
0x36: {  	[tilespmem:s14+$0x100] =	vst v0  }
0x37: {  	[tilespmem:s13+$0x50] =	vst v0  }
0x38: {  	[tilespmem:s13+$0xB0] =	vst v0  }
0x39: {  	[tilespmem:s13+$0xA0] =	vst v0  }
0x3a: {  	[tilespmem:s13+$0x90] =	vst v0  }
0x3b: {  	[tilespmem:s13+$0x80] =	vst v0  }
0x3c: {  	[tilespmem:s13+$0x60] =	vst v0  }
0x3d: {  	[tilespmem:s13+$0x70] =	vst v0  }
0x3e: {  	[tilespmem:s14+$0x180] =	vst v0  }
0x3f: {  	[tilespmem:s9], [sflag:$0x1] =	stream.linear.gather [hbm4b:s3+s2], $0x2000, $0x38;
	[tilespmem:$0x1C700] =	vst v63  }
0x40: {  	_ =	swait.ge [sflag:s10], $0x2000  }
0x41: {  	[sflag:s10] =	ssyncset.done $0x0  }
0x42: {  	[sflag:s10] =	ssyncadd.s32 $0xFFFFE000  }
0x43: {  	[tilespmem:s11], [sflag:$0x1] =	stream.linear.gather [hbm4b:s4+s2], $0x2000, $0x38;
	[tilespmem:$0x1C700] =	vst v63  }
0x44: {  	_ =	swait.ge [sflag:s10], $0x2000  }
0x45: {  	s15 =	simm.s32 $0x1A740;
	[sflag:s10] =	ssyncset.done $0x0  }
0x46: {  	s13 =	simm.s32 $0xFFFFFFF8;
	s14 =	simm.s32 $0x18740;
	[sflag:s10] =	ssyncadd.s32 $0xFFFFE000  }
.LBB2_4:
0x47: {  	v1 =	vld [tilespmem:s14+$0xFFFFFFC0];
	_ =	sdelay $0x2  }
0x48: {  	v2 =	vld [tilespmem:s15+$0xFFFFFFC0];
	_ =	sdelay $0x4  }
0x49: {  	[tilespmem:v1+s2+$0x0] =	vst.idx.add.f32.msk $0xffff, v2  }
0x4a: {  	v1 =	vld [tilespmem:s14+$0xFFFFFFD0];
	_ =	sdelay $0x2  }
0x4b: {  	v2 =	vld [tilespmem:s15+$0xFFFFFFD0];
	_ =	sdelay $0x4  }
0x4c: {  	[tilespmem:v1+s2+$0x0] =	vst.idx.add.f32.msk $0xffff, v2  }
0x4d: {  	v1 =	vld [tilespmem:s14+$0xFFFFFFE0];
	_ =	sdelay $0x2  }
0x4e: {  	v2 =	vld [tilespmem:s15+$0xFFFFFFE0];
	_ =	sdelay $0x4  }
0x4f: {  	[tilespmem:v1+s2+$0x0] =	vst.idx.add.f32.msk $0xffff, v2  }
0x50: {  	v1 =	vld [tilespmem:s14+$0xFFFFFFF0];
	_ =	sdelay $0x2  }
0x51: {  	v2 =	vld [tilespmem:s15+$0xFFFFFFF0];
	_ =	sdelay $0x4  }
0x52: {  	[tilespmem:v1+s2+$0x0] =	vst.idx.add.f32.msk $0xffff, v2  }
0x53: {  	v1 =	vld [tilespmem:s14+$0x0];
	_ =	sdelay $0x2  }
0x54: {  	v2 =	vld [tilespmem:s15+$0x0];
	_ =	sdelay $0x4  }
0x55: {  	[tilespmem:v1+s2+$0x0] =	vst.idx.add.f32.msk $0xffff, v2  }
0x56: {  	v1 =	vld [tilespmem:s14+$0x10];
	_ =	sdelay $0x2  }
0x57: {  	v2 =	vld [tilespmem:s15+$0x10];
	_ =	sdelay $0x4  }
0x58: {  	[tilespmem:v1+s2+$0x0] =	vst.idx.add.f32.msk $0xffff, v2  }
0x59: {  	v1 =	vld [tilespmem:s14+$0x20];
	_ =	sdelay $0x2  }
0x5a: {  	v2 =	vld [tilespmem:s15+$0x20];
	_ =	sdelay $0x4  }
0x5b: {  	[tilespmem:v1+s2+$0x0] =	vst.idx.add.f32.msk $0xffff, v2  }
0x5c: {  	v1 =	vld [tilespmem:s14+$0x30];
	_ =	sdelay $0x1  }
0x5d: {  	s13 =	sadd.s32 $0x8, s13  }
0x5e: {  	p0 =	slt.u32 s13, $0x1F8;
	v2 =	vld [tilespmem:s15+$0x30]  }
.Ltmp1:
0x5f: {  	_ = 	snop;
	(pc) =	sbr.rel @p0 .LBB2_4-.Ltmp1, $2  }
0x60: {  	_ =	sdelay $0x2  }
0x61: {  	s14 =	sadd.s32 $0x80, s14;
	s15 =	sadd.s32 $0x80, s15;
	[tilespmem:v1+s2+$0x0] =	vst.idx.add.f32.msk $0xffff, v2  }
0x62: {  	[tilespmem:s9], [sflag:$0x1] =	stream.linear.gather [hbm4b:s5+s2], $0x2000, $0x38;
	[tilespmem:$0x1C700] =	vst v63  }
0x63: {  	_ =	swait.ge [sflag:s10], $0x2000  }
0x64: {  	[sflag:s10] =	ssyncset.done $0x0  }
0x65: {  	[sflag:s10] =	ssyncadd.s32 $0xFFFFE000  }
0x66: {  	[tilespmem:s11], [sflag:$0x1] =	stream.linear.gather [hbm4b:s6+s2], $0x2000, $0x38;
	[tilespmem:$0x1C700] =	vst v63  }
0x67: {  	_ =	swait.ge [sflag:s10], $0x2000  }
0x68: {  	s13 =	simm.s32 $0xFFFFFFF8;
	[sflag:s10] =	ssyncset.done $0x0  }
0x69: {  	s14 =	simm.s32 $0x18740;
	s15 =	simm.s32 $0x1A740;
	[sflag:s10] =	ssyncadd.s32 $0xFFFFE000  }
.LBB2_6:
0x6a: {  	v1 =	vld [tilespmem:s14+$0xFFFFFFC0];
	_ =	sdelay $0x2  }
0x6b: {  	v2 =	vld [tilespmem:s15+$0xFFFFFFC0];
	_ =	sdelay $0x4  }
0x6c: {  	[tilespmem:v1+s2+$0x0] =	vst.idx.add.f32.msk $0xffff, v2  }
0x6d: {  	v1 =	vld [tilespmem:s14+$0xFFFFFFD0];
	_ =	sdelay $0x2  }
0x6e: {  	v2 =	vld [tilespmem:s15+$0xFFFFFFD0];
	_ =	sdelay $0x4  }
0x6f: {  	[tilespmem:v1+s2+$0x0] =	vst.idx.add.f32.msk $0xffff, v2  }
0x70: {  	v1 =	vld [tilespmem:s14+$0xFFFFFFE0];
	_ =	sdelay $0x2  }
0x71: {  	v2 =	vld [tilespmem:s15+$0xFFFFFFE0];
	_ =	sdelay $0x4  }
0x72: {  	[tilespmem:v1+s2+$0x0] =	vst.idx.add.f32.msk $0xffff, v2  }
0x73: {  	v1 =	vld [tilespmem:s14+$0xFFFFFFF0];
	_ =	sdelay $0x2  }
0x74: {  	v2 =	vld [tilespmem:s15+$0xFFFFFFF0];
	_ =	sdelay $0x4  }
0x75: {  	[tilespmem:v1+s2+$0x0] =	vst.idx.add.f32.msk $0xffff, v2  }
0x76: {  	v1 =	vld [tilespmem:s14+$0x0];
	_ =	sdelay $0x2  }
0x77: {  	v2 =	vld [tilespmem:s15+$0x0];
	_ =	sdelay $0x4  }
0x78: {  	[tilespmem:v1+s2+$0x0] =	vst.idx.add.f32.msk $0xffff, v2  }
0x79: {  	v1 =	vld [tilespmem:s14+$0x10];
	_ =	sdelay $0x2  }
0x7a: {  	v2 =	vld [tilespmem:s15+$0x10];
	_ =	sdelay $0x4  }
0x7b: {  	[tilespmem:v1+s2+$0x0] =	vst.idx.add.f32.msk $0xffff, v2  }
0x7c: {  	v1 =	vld [tilespmem:s14+$0x20];
	_ =	sdelay $0x2  }
0x7d: {  	v2 =	vld [tilespmem:s15+$0x20];
	_ =	sdelay $0x4  }
0x7e: {  	[tilespmem:v1+s2+$0x0] =	vst.idx.add.f32.msk $0xffff, v2  }
0x7f: {  	v1 =	vld [tilespmem:s14+$0x30];
	_ =	sdelay $0x1  }
0x80: {  	s13 =	sadd.s32 $0x8, s13  }
0x81: {  	p0 =	slt.u32 s13, $0x1F8;
	v2 =	vld [tilespmem:s15+$0x30]  }
.Ltmp2:
0x82: {  	_ = 	snop;
	(pc) =	sbr.rel @p0 .LBB2_6-.Ltmp2, $2  }
0x83: {  	_ =	sdelay $0x2  }
0x84: {  	s14 =	sadd.s32 $0x80, s14;
	s15 =	sadd.s32 $0x80, s15;
	[tilespmem:v1+s2+$0x0] =	vst.idx.add.f32.msk $0xffff, v2  }
0x85: {  	s12 =	sadd.s32 $0x1, s12  }
0x86: {  	p0 =	sne.s32 s12, s8  }
.Ltmp3:
0x87: {  	_ = 	snop;
	(pc) =	sbr.rel @p0 .LBB2_1-.Ltmp3, $4  }
0x88: {  	[hbm4b:s7+s2] =	stream.linear.scatter [tilespmem:s2], [sflag:$0x1], $0x186A0, $0x38;
	[tilespmem:$0x1C700] =	vst v63  }
0x89: {  	_ =	swait.ge [sflag:s10], $0x186A0  }
0x8a: {  	[sflag:s10] =	ssyncset.done $0x0  }
0x8b: {  	[sflag:s10] =	ssyncadd.s32 $0xFFFE7960  }
0x8c: {  	_ =	sfence.sel $0x180000  }
0x8d: {  	[bflag:$0x0] =	sbarrier.arrive $0xFFFF  }
0x8e: {  	p0 =	sne.s32 s1, $0x0;
	_ =	strace $0x90000047  }
0x8f: {  	s0 =	sadd.s32 @!p0 $0x100000, s0;
	[bflag:$0x2] =	sbarrier.arrive $0xFFFF  }
0x90: {  	[sflag:s0] =	ssyncadd.tile.s32 @!p0 $0x1;
	_ =	shalt  }
.Lfunc_end2:
_tile_overlayer_lowered:
.L_overlay_start_2:
0x91: {  	(tag) =	ssettag $0x2  }
0x92: {  	s0 =	rddreg [dreg:$0x0];
	s2 =	stileid.u32  }
0x93: {  	s1 =	rddreg [dreg:$0x1];
	p0 =	sne.s32 s2, $0x0  }
0x94: {  	s3 =	rddreg [dreg:$0x2];
	[bflag:$0x3] =	sbarrier.arrive $0xFFFF;
	s2 =	simm.s32 @!p0 $0x1C01  }
0x95: {  	[timem:s3], [sflag:s2] =	dma.local @!p0 [hbm:s0], s1  }
0x96: {  	s0 =	simm.s32 @!p0 $0x1  }
0x97: {  	_ =	swait.ge @!p0 [sflag:s0], s1  }
0x98: {  	s1 =	ssub.s32 @!p0 $0x0, s1;
	[sflag:s0] =	ssyncset.done @!p0 $0x0  }
0x99: {  	[sflag:s0] =	ssyncadd.s32 @!p0 s1  }
0x9a: {  	[bflag:$0x3] =	sbarrier.arrive $0xFFFF  }
0x9b: {  	_ =	shalt  }

// kernel: kernel.9.cloned.1.call-start
scs
__scs_entry_jumppad:
0x0: {  	(pc) =	sbr.rel $0x88, $3  }
0x1: {  	(tag) =	ssettag $0x0;
	lr =	simm.s32 $0x1  }
0x2: {  	[smem:$0x3F9E] =	sst lr;
	_ =	strace $0xD0000000  }
0x3: {  	_ = 	snop  }
0x4: {  	_ = 	snop  }
0x5: {  	_ = 	snop  }
0x6: {  	_ = 	snop  }
0x7: {  	_ = 	snop  }
__scs_overlays_trampoline_lowered:
0x8: {  	[smem:$0x3FAD] =	sst s0  }
0x9: {  	[smem:$0x3FAE] =	sst s1  }
0xa: {  	[smem:$0x3FAF] =	sst s2  }
0xb: {  	[smem:$0x3FB0] =	sst s3  }
0xc: {  	[smem:$0x3FB1] =	sst s4  }
0xd: {  	[smem:$0x3FB2] =	sst s5  }
0xe: {  	[smem:$0x3FB3] =	sst s6  }
0xf: {  	[smem:$0x3FB4] =	sst s7  }
0x10: {  	[smem:$0x3FB5] =	sst s8  }
0x11: {  	[smem:$0x3FB6] =	sst s9;
	s0 =	simm.s32 @!p0 $0x0  }
0x12: {  	s1 =	sld [smem:$0x3F9C];
	s0 =	simm.s32 @p0 $0x1  }
0x13: {  	[smem:$0x3FB7] =	sst s0;
	s0 =	simm.s32 @!p1 $0x0  }
0x14: {  	s2 =	sld [smem:$0x3F9B];
	s0 =	simm.s32 @p1 $0x1  }
0x15: {  	[smem:$0x3FB8] =	sst s0;
	s0 =	simm.s32 @!p2 $0x0  }
0x16: {  	s3 =	sld [smem:$0x3FDB];
	s0 =	simm.s32 @p2 $0x1  }
0x17: {  	s4 =	simm.s32 $0x1BF5;
	[smem:$0x3FBA] =	sst s0  }
0x18: {  	s0 =	sld [smem:$0x3F9D];
	_ =	swait.ge [sflag:s4], $0x0  }
0x19: {  	s7 =	sld [smem:$0x3F9E]  }
0x1a: {  	s8 =	sadd.s32 $0xFFFFE003, lr  }
0x1b: {  	s9 =	sadd.s32 $0xFFFFFEF7, lr;
	s5 =	simm.s32 $0xFFFFFFFF;
	p2 =	slt.u32 s8, $0xFFFFF086  }
0x1c: {  	p1 =	slt.u32 s9, $0xF7A;
	s5 =	simm.s32 @!p2 $0x0  }
0x1d: {  	s5 =	simm.s32 @p1 $0x1;
	p0 =	seq.s32 s7, s2  }
0x1e: {  	s7 =	smul.u32 @!p0 $0xF7A, s2;
	p2 =	seq.s32 @!p0 s5, $0x0  }
0x1f: {  	s9 =	smul.u32 $0xF7A, s1;
	s8 =	simm.s32 @!p0 $0x1BF5;
	p2 =	por !p2, p0  }
0x20: {  	[sflag:s8] =	ssyncset.s32 @!p0 $0xFFFFF086;
	s6 =	sadd.s32 @!p0 s3, s7;
	s7 =	simm.s32 @!p0 $0x108  }
0x21: {  	s3 =	sadd.s32 s3, s9;
	s6 =	sadd.s32 @!p0 $0x88, s6;
	s7 =	simm.s32 @p2 $0x1082  }
0x22: {  	[simem:s7], [sflag:s8] =	dma.local @!p0 [hbm:s6], $0xF7A  }
0x23: {  	s9 =	sor.u32 $0xD0000000, s2;
	s6 =	simm.s32 $0x108;
	_ =	swait.ge @!p0 [sflag:s8], $0x0  }
0x24: {  	s3 =	sadd.s32 $0x88, s3;
	s6 =	simm.s32 @!p1 $0x1082;
	[sflag:s4] =	ssyncset.s32 $0xFFFFF086  }
0x25: {  	[simem:s6], [sflag:s4] =	dma.local [hbm:s3], $0xF7A  }
0x26: {  	[smem:$0x3F9E] =	sst s1;
	(tag) =	ssettag s2;
	_ =	strace s9  }
0x27: {  	s1 =	sld [smem:$0x3FAE]  }
0x28: {  	s2 =	sld [smem:$0x3FAF]  }
0x29: {  	s4 =	sld [smem:$0x3FB1]  }
0x2a: {  	p0 =	seq.s32 s5, $0x0;
	s5 =	sld [smem:$0x3FB2]  }
0x2b: {  	s6 =	sld [smem:$0x3FB3]  }
0x2c: {  	s7 =	sld [smem:$0x3FB4]  }
0x2d: {  	s3 =	simm.s32 $0x108;
	s8 =	sld [smem:$0x3FB5]  }
0x2e: {  	s3 =	simm.s32 @!p0 $0x1082;
	s9 =	sld [smem:$0x3FB6]  }
0x2f: {  	lr =	sadd.s32 s0, s3;
	s0 =	sld [smem:$0x3FAD]  }
0x30: {  	s3 =	sld [smem:$0x3FB0]  }
0x31: {  	[smem:$0x3FB9] =	sst s10  }
0x32: {  	s10 =	sld [smem:$0x3FB7];
	_ =	sdelay $0x3  }
0x33: {  	p0 =	seq.s32 s10, $0x1;
	s10 =	sld [smem:$0x3FB9];
	_ =	sdelay $0x3  }
0x34: {  	[smem:$0x3FB9] =	sst s10  }
0x35: {  	s10 =	sld [smem:$0x3FB8];
	_ =	sdelay $0x3  }
0x36: {  	p1 =	seq.s32 s10, $0x1;
	s10 =	sld [smem:$0x3FB9];
	_ =	sdelay $0x3  }
0x37: {  	[smem:$0x3FB9] =	sst s10  }
0x38: {  	s10 =	sld [smem:$0x3FBA]  }
0x39: {  	_ = 	snop;
	(pc) =	sbr.ind lr, $3  }
0x3a: {  	_ = 	snop  }
0x3b: {  	_ = 	snop  }
0x3c: {  	p2 =	seq.s32 s10, $0x1;
	s10 =	sld [smem:$0x3FB9]  }
0x3d: {  	_ =	shalt  }
0x3e: {  	_ =	shalt  }
0x3f: {  	_ =	shalt  }
0x40: {  	_ =	shalt  }
0x41: {  	_ =	shalt  }
0x42: {  	_ =	shalt  }
0x43: {  	_ =	shalt  }
0x44: {  	_ =	shalt  }
0x45: {  	_ =	shalt  }
0x46: {  	_ =	shalt  }
0x47: {  	_ =	shalt  }
0x48: {  	_ =	shalt  }
0x49: {  	_ =	shalt  }
0x4a: {  	_ =	shalt  }
0x4b: {  	_ =	shalt  }
0x4c: {  	_ =	shalt  }
0x4d: {  	_ =	shalt  }
0x4e: {  	_ =	shalt  }
0x4f: {  	_ =	shalt  }
0x50: {  	_ =	shalt  }
0x51: {  	_ =	shalt  }
0x52: {  	_ =	shalt  }
0x53: {  	_ =	shalt  }
0x54: {  	_ =	shalt  }
0x55: {  	_ =	shalt  }
0x56: {  	_ =	shalt  }
0x57: {  	_ =	shalt  }
0x58: {  	_ =	shalt  }
0x59: {  	_ =	shalt  }
0x5a: {  	_ =	shalt  }
0x5b: {  	_ =	shalt  }
0x5c: {  	_ =	shalt  }
0x5d: {  	_ =	shalt  }
0x5e: {  	_ =	shalt  }
0x5f: {  	_ =	shalt  }
0x60: {  	_ =	shalt  }
0x61: {  	_ =	shalt  }
0x62: {  	_ =	shalt  }
0x63: {  	_ =	shalt  }
0x64: {  	_ =	shalt  }
0x65: {  	_ =	shalt  }
0x66: {  	_ =	shalt  }
0x67: {  	_ =	shalt  }
0x68: {  	_ =	shalt  }
0x69: {  	_ =	shalt  }
0x6a: {  	_ =	shalt  }
0x6b: {  	_ =	shalt  }
0x6c: {  	_ =	shalt  }
0x6d: {  	_ =	shalt  }
0x6e: {  	_ =	shalt  }
0x6f: {  	_ =	shalt  }
0x70: {  	_ =	shalt  }
0x71: {  	_ =	shalt  }
0x72: {  	_ =	shalt  }
0x73: {  	_ =	shalt  }
0x74: {  	_ =	shalt  }
0x75: {  	_ =	shalt  }
0x76: {  	_ =	shalt  }
0x77: {  	_ =	shalt  }
0x78: {  	_ =	shalt  }
0x79: {  	_ =	shalt  }
0x7a: {  	_ =	shalt  }
0x7b: {  	_ =	shalt  }
0x7c: {  	_ =	shalt  }
0x7d: {  	_ =	shalt  }
0x7e: {  	_ =	shalt  }
0x7f: {  	_ =	shalt  }
0x80: {  	_ =	shalt  }
0x81: {  	_ =	shalt  }
0x82: {  	_ =	shalt  }
0x83: {  	_ =	shalt  }
0x84: {  	_ =	shalt  }
0x85: {  	_ =	shalt  }
0x86: {  	_ =	shalt  }
0x87: {  	_ =	shalt  }
.Lfunc_end0:
.L_simem_size_0:
called_computation.1_lowered:
.L_overlay_start_0:
0x88: {  	s2 =	sld [smem:$0x3FD9]  }
0x89: {  	s3 =	sld [smem:$0x3FFE];
	_ =	sdelay $0x1  }
0x8a: {  	s1 =	srdreg.scid  }
0x8b: {  	s0 =	sand.u32 $0x1, s1  }
0x8c: {  	s17 =	sshll.u32 s0, $0xA;
	s2 =	sadd.s32 s3, s2  }
0x8d: {  	s2 =	sadd.s32 s2, s17  }
0x8e: {  	[smem:$0x3FC5] =	sst s2  }
0x8f: {  	_ = 	snop  }
0x90: {  	(tm) =	ssettm $0x1  }
0x91: {  	s18 =	sld [smem:$0x3FFB];
	_ =	sdelay $0x3  }
0x92: {  	_ =	strace s18  }
0x93: {  	s2 =	sld [smem:$0x3FFC];
	_ =	sdelay $0x3  }
0x94: {  	_ =	strace s2  }
0x95: {  	s2 =	sld [smem:$0x3FFD];
	_ =	sdelay $0x3  }
0x96: {  	_ =	strace s2  }
0x97: {  	_ =	strace $0x8FFFFFFF  }
0x98: {  	s19 =	sld [smem:$0x3FDB];
	_ =	sdelay $0x1  }
0x99: {  	s20 =	simm.s32 $_scs_section_size  }
0x9a: {  	s4 =	simm.s32 $_size__tile_overlayer_lowered;
	s5 =	simm.s32 $_tile_overlayer_lowered  }
0x9b: {  	s6 =	simm.s32 $0x1BFF;
	s21 =	sshll.u32 s5, $0x1;
	s3 =	sadd.s32 s20, s19  }
0x9c: {  	s22 =	simm.s32 $0x0;
	s4 =	sshll.u32 s4, $0x1;
	s5 =	sadd.s32 s21, s3  }
0x9d: {  	[timem:s22], [sflag:s6] =	dma.local [hbm:s5], s4  }
0x9e: {  	_ =	swait.ge [sflag:s6], s4  }
0x9f: {  	s4 =	ssub.s32 $0x0, s4;
	[sflag:s6] =	ssyncset.done $0x0  }
0xa0: {  	[sflag:s6] =	ssyncadd.s32 s4;
	_ =	sdelay $0x1  }
0xa1: {  	s23 =	simm.s32 $0x1B8B  }
0xa2: {  	_ =	swait.ge [sflag:s23], $0x1  }
0xa3: {  	[sflag:s23] =	ssyncset.done $0x0  }
0xa4: {  	[sflag:s23] =	ssyncadd.s32 $0xFFFFFFFF  }
0xa5: {  	s4 =	sld [smem:$0x0]  }
0xa6: {  	s5 =	sand.u32 $0xFFFFFFFE, s1  }
0xa7: {  	p0 =	sne.s32 s1, s5  }
0xa8: {  	s5 =	sshll.u32 @p0 s5, $0xE  }
0xa9: {  	s5 =	sadd.s32 @p0 $0x11B8D, s5;
	s6 =	sshll.u32 @p0 s4, $0x11  }
0xaa: {  	s5 =	sor.u32 @p0 s6, s5  }
0xab: {  	[sflag:s5] =	ssyncadd.remote.s32 @p0 $0x1;
	_ =	sdelay $0x1  }
0xac: {  	s5 =	simm.s32 @p0 $0x1B8D  }
0xad: {  	_ =	swait.eq @p0 [sflag:s5], $0x1  }
0xae: {  	[sflag:s5] =	ssyncadd.s32 @p0 $0xFFFFFFFF  }
0xaf: {  	s6 =	sshll.u32 @!p0 s1, $0xE  }
0xb0: {  	s6 =	sor.u32 @!p0 $0x4000, s6;
	s5 =	simm.s32 @!p0 $0x1B8D  }
0xb1: {  	s4 =	sshll.u32 @!p0 s4, $0x11;
	s6 =	sadd.s32 @!p0 $0x11B8D, s6;
	_ =	swait.eq @!p0 [sflag:s5], $0x1  }
0xb2: {  	s4 =	sor.u32 @!p0 s4, s6;
	[sflag:s5] =	ssyncadd.s32 @!p0 $0xFFFFFFFF  }
0xb3: {  	s25 =	simm.s32 $0x1B8E;
	s24 =	sld [smem:$0x3FFE];
	[sflag:s4] =	ssyncadd.remote.s32 @!p0 $0x1  }
0xb4: {  	s26 =	simm.s32 $execute0_lowered;
	[smem:$0x3FD2] =	sst s25  }
0xb5: {  	s5 =	sshll.u32 s26, $0x1;
	_ =	strace $0x80000049;
	[dreg:$0x1] =	wrdreg $0xFFFFFFFF  }
0xb6: {  	s28 =	simm.s32 $_size_execute0_lowered;
	s3 =	sadd.s32 s3, s5;
	[dreg:$0x0] =	wrdreg $0x0  }
0xb7: {  	s5 =	sshll.u32 s28, $0x1;
	[dreg:$0x2] =	wrdreg s3  }
0xb8: {  	[dreg:$0x3] =	wrdreg s5  }
0xb9: {  	[dreg:$0x4] =	wrdreg $0xC0  }
0xba: {  	_ =	task [dreg:s22], $0x5FFFF  }
0xbb: {  	[dreg:$0x1] =	wrdreg $0xFFFFFFFF  }
0xbc: {  	[dreg:$0x0] =	wrdreg $0x60  }
0xbd: {  	[dreg:$0x2] =	wrdreg s24  }
0xbe: {  	[dreg:$0x3] =	wrdreg $0xA  }
0xbf: {  	_ =	task.clear_ibuf [dreg:s22], $0x4FFFF;
	_ =	strace $0x90000049  }
0xc0: {  	s29 =	simm.s32 $0xA;
	_ =	strace $0x8000004B  }
0xc1: {  	_ =	swait.ge [sflag:s29], $0x1  }
0xc2: {  	[sflag:s29] =	ssyncadd.s32 $0xFFFFFFFF  }
0xc3: {  	_ =	strace $0x9000004B  }
0xc4: {  	_ =	sfence  }
0xc5: {  	s30 =	sld [smem:$0x0];
	_ =	sdelay $0x2  }
0xc6: {  	s31 =	sshll.u32 s1, $0xD;
	s1 =	sshrl.u32 s1, $0x2  }
0xc7: {  	s4 =	sand.u32 $0x4000, s31;
	s1 =	sadd.s32 s1, s30  }
0xc8: {  	s0 =	sor.u32 s4, s0;
	s1 =	sshll.u32 s1, $0x11  }
0xc9: {  	s0 =	sor.u32 s1, s0  }
0xca: {  	s0 =	sadd.s32 $0x8F2B, s0  }
0xcb: {  	[sflag:s0] =	ssyncadd.remote.s32 $0x1  }
0xcc: {  	_ =	sfence.sel $0xFFFF  }
0xcd: {  	[dreg:$0x0] =	wrdreg $0xFFFFFFFF;
	(pc) =	sbr.abs _section_cstart, $3  }
0xce: {  	[dreg:$0x1] =	wrdreg $0xFFFFFFFF  }
0xcf: {  	_ =	task.clear_ibuf [dreg:s22], $0x2FFFF;
	_ =	strace $0x9FFFFFFF  }
0xd0: {  	(tm) =	ssettm $0x7FFFFFFF  }
0xd1: {  	_ =	shalt  }
tec
execute0_lowered:
.L_overlay_start_1:
0x0: {  	(tag) =	ssettag $0x1  }
0x1: {  	s3 =	rddreg [dreg:$0x0]  }
0x2: {  	s0 =	rddreg [dreg:$0x1];
	s4 =	srdreg.scid  }
0x3: {  	s1 =	stileid.u32;
	s2 =	simm.s32 $0x0;
	s12 =	simm.s32 $0x0  }
0x4: {  	s4 =	sand.u32 $0x1, s4;
	s5 =	sshll.u32 s1, $0x1;
	[smem:$0x7FF] =	sst s2  }
0x5: {  	s6 =	sadd.s32 $0xC00, s3;
	s8 =	sadd.s32 $0x20C00, s3;
	s5 =	sor.u32 s4, s5  }
0x6: {  	s4 =	ssub.s32 $0x2, s4;
	s7 =	smul.u32 $0x30E0, s5;
	s5 =	sshll.u32 s5, $0xB  }
0x7: {  	_ =	strace $0x8000004A;
	s31 =	sshrl.u32 s4, $0x1;
	s9 =	sor.u32 $0x10000, s5  }
0x8: {  	s10 =	ssub.s32 s4, s31;
	s11 =	sor.u32 $0x10400, s5;
	s7 =	sadd.s32 s7, s3  }
0x9: {  	s3 =	sadd.s32 s6, s9;
	s4 =	sadd.s32 s8, s9;
	s5 =	sadd.s32 s6, s11  }
0xa: {  	s6 =	sadd.s32 s8, s11;
	s8 =	smax.u32 s10, $0x1;
	s9 =	simm.s32 $0x18700  }
0xb: {  	v0 =	vimm.f32 $0.0e+00;
	s10 =	simm.s32 $0x1;
	s11 =	simm.s32 $0x1A700;
	s7 =	sadd.s32 $0x40C00, s7  }
.LBB2_1:
0xc: {  	s13 =	simm.s32 $0xC0  }
0xd: {  	[tilespmem:s13+$0xFFFFFF40] =	vst v0  }
0xe: {  	[tilespmem:s13+$0xFFFFFFB0] =	vst v0  }
0xf: {  	[tilespmem:s13+$0xFFFFFFA0] =	vst v0  }
0x10: {  	[tilespmem:s13+$0xFFFFFF90] =	vst v0  }
0x11: {  	[tilespmem:s13+$0xFFFFFF80] =	vst v0  }
0x12: {  	[tilespmem:s13+$0xFFFFFF70] =	vst v0  }
0x13: {  	[tilespmem:s13+$0xFFFFFF60] =	vst v0  }
0x14: {  	s14 =	sand.u32 $0x1FFF0, s2;
	[tilespmem:s13+$0xFFFFFF50] =	vst v0  }
0x15: {  	[tilespmem:s14+$0x80] =	vst v0  }
0x16: {  	[tilespmem:s13+$0x30] =	vst v0  }
0x17: {  	[tilespmem:s13+$0x20] =	vst v0  }
0x18: {  	s15 =	simm.s32 $0x0;
	s16 =	simm.s32 $0x0;
	s17 =	simm.s32 $0xC0;
	[tilespmem:s13+$0x10] =	vst v0  }
.LBB2_2:
0x19: {  	s15 =	sadd.s32 $0x19, s15;
	[tilespmem:s13+$0x0] =	vst v0;
	s16 =	sadd.s32 $0x190, s16;
	s17 =	sadd.s32 $0x190, s17  }
0x1a: {  	p0 =	slt.u32 s15, $0x1851;
	[tilespmem:s13+$0xFFFFFFF0] =	vst v0  }
0x1b: {  	[tilespmem:s13+$0xFFFFFFD0] =	vst v0  }
0x1c: {  	[tilespmem:s13+$0xFFFFFFE0] =	vst v0  }
0x1d: {  	[tilespmem:s14+$0x100] =	vst v0  }
0x1e: {  	[tilespmem:s13+$0x50] =	vst v0  }
0x1f: {  	[tilespmem:s13+$0xB0] =	vst v0  }
0x20: {  	[tilespmem:s13+$0xA0] =	vst v0  }
0x21: {  	[tilespmem:s13+$0x90] =	vst v0  }
0x22: {  	[tilespmem:s13+$0x80] =	vst v0  }
0x23: {  	[tilespmem:s13+$0x60] =	vst v0  }
0x24: {  	[tilespmem:s13+$0x70] =	vst v0;
	s13 =	smov.u32 s17  }
0x25: {  	[tilespmem:s14+$0x180] =	vst v0  }
0x26: {  	[tilespmem:s17+$0xFFFFFF40] =	vst v0  }
0x27: {  	[tilespmem:s17+$0xFFFFFFB0] =	vst v0  }
0x28: {  	[tilespmem:s17+$0xFFFFFFA0] =	vst v0  }
0x29: {  	[tilespmem:s17+$0xFFFFFF90] =	vst v0  }
0x2a: {  	[tilespmem:s17+$0xFFFFFF80] =	vst v0  }
0x2b: {  	[tilespmem:s17+$0xFFFFFF70] =	vst v0  }
0x2c: {  	[tilespmem:s17+$0xFFFFFF60] =	vst v0  }
.Ltmp0:
0x2d: {  	s14 =	sand.u32 $0x1FFF0, s16;
	[tilespmem:s17+$0xFFFFFF50] =	vst v0;
	(pc) =	sbr.rel @p0 .LBB2_2-.Ltmp0, $4  }
0x2e: {  	[tilespmem:s14+$0x80] =	vst v0  }
0x2f: {  	[tilespmem:s17+$0x30] =	vst v0  }
0x30: {  	[tilespmem:s17+$0x20] =	vst v0  }
0x31: {  	[tilespmem:s17+$0x10] =	vst v0  }
0x32: {  	[tilespmem:s13+$0x0] =	vst v0  }
0x33: {  	[tilespmem:s13+$0xFFFFFFF0] =	vst v0  }
0x34: {  	[tilespmem:s13+$0xFFFFFFD0] =	vst v0  }
0x35: {  	[tilespmem:s13+$0xFFFFFFE0] =	vst v0  }
0x36: {  	[tilespmem:s14+$0x100] =	vst v0  }
0x37: {  	[tilespmem:s13+$0x50] =	vst v0  }
0x38: {  	[tilespmem:s13+$0xB0] =	vst v0  }
0x39: {  	[tilespmem:s13+$0xA0] =	vst v0  }
0x3a: {  	[tilespmem:s13+$0x90] =	vst v0  }
0x3b: {  	[tilespmem:s13+$0x80] =	vst v0  }
0x3c: {  	[tilespmem:s13+$0x60] =	vst v0  }
0x3d: {  	[tilespmem:s13+$0x70] =	vst v0  }
0x3e: {  	[tilespmem:s14+$0x180] =	vst v0  }
0x3f: {  	[tilespmem:s9], [sflag:$0x1] =	stream.linear.gather [hbm4b:s3+s2], $0x2000, $0x38;
	[tilespmem:$0x1C700] =	vst v63  }
0x40: {  	_ =	swait.ge [sflag:s10], $0x2000  }
0x41: {  	[sflag:s10] =	ssyncset.done $0x0  }
0x42: {  	[sflag:s10] =	ssyncadd.s32 $0xFFFFE000  }
0x43: {  	[tilespmem:s11], [sflag:$0x1] =	stream.linear.gather [hbm4b:s4+s2], $0x2000, $0x38;
	[tilespmem:$0x1C700] =	vst v63  }
0x44: {  	_ =	swait.ge [sflag:s10], $0x2000  }
0x45: {  	s15 =	simm.s32 $0x1A740;
	[sflag:s10] =	ssyncset.done $0x0  }
0x46: {  	s13 =	simm.s32 $0xFFFFFFF8;
	s14 =	simm.s32 $0x18740;
	[sflag:s10] =	ssyncadd.s32 $0xFFFFE000  }
.LBB2_4:
0x47: {  	v1 =	vld [tilespmem:s14+$0xFFFFFFC0];
	_ =	sdelay $0x2  }
0x48: {  	v2 =	vld [tilespmem:s15+$0xFFFFFFC0];
	_ =	sdelay $0x4  }
0x49: {  	[tilespmem:v1+s2+$0x0] =	vst.idx.add.f32.msk $0xffff, v2  }
0x4a: {  	v1 =	vld [tilespmem:s14+$0xFFFFFFD0];
	_ =	sdelay $0x2  }
0x4b: {  	v2 =	vld [tilespmem:s15+$0xFFFFFFD0];
	_ =	sdelay $0x4  }
0x4c: {  	[tilespmem:v1+s2+$0x0] =	vst.idx.add.f32.msk $0xffff, v2  }
0x4d: {  	v1 =	vld [tilespmem:s14+$0xFFFFFFE0];
	_ =	sdelay $0x2  }
0x4e: {  	v2 =	vld [tilespmem:s15+$0xFFFFFFE0];
	_ =	sdelay $0x4  }
0x4f: {  	[tilespmem:v1+s2+$0x0] =	vst.idx.add.f32.msk $0xffff, v2  }
0x50: {  	v1 =	vld [tilespmem:s14+$0xFFFFFFF0];
	_ =	sdelay $0x2  }
0x51: {  	v2 =	vld [tilespmem:s15+$0xFFFFFFF0];
	_ =	sdelay $0x4  }
0x52: {  	[tilespmem:v1+s2+$0x0] =	vst.idx.add.f32.msk $0xffff, v2  }
0x53: {  	v1 =	vld [tilespmem:s14+$0x0];
	_ =	sdelay $0x2  }
0x54: {  	v2 =	vld [tilespmem:s15+$0x0];
	_ =	sdelay $0x4  }
0x55: {  	[tilespmem:v1+s2+$0x0] =	vst.idx.add.f32.msk $0xffff, v2  }
0x56: {  	v1 =	vld [tilespmem:s14+$0x10];
	_ =	sdelay $0x2  }
0x57: {  	v2 =	vld [tilespmem:s15+$0x10];
	_ =	sdelay $0x4  }
0x58: {  	[tilespmem:v1+s2+$0x0] =	vst.idx.add.f32.msk $0xffff, v2  }
0x59: {  	v1 =	vld [tilespmem:s14+$0x20];
	_ =	sdelay $0x2  }
0x5a: {  	v2 =	vld [tilespmem:s15+$0x20];
	_ =	sdelay $0x4  }
0x5b: {  	[tilespmem:v1+s2+$0x0] =	vst.idx.add.f32.msk $0xffff, v2  }
0x5c: {  	v1 =	vld [tilespmem:s14+$0x30];
	_ =	sdelay $0x1  }
0x5d: {  	s13 =	sadd.s32 $0x8, s13  }
0x5e: {  	p0 =	slt.u32 s13, $0x1F8;
	v2 =	vld [tilespmem:s15+$0x30]  }
.Ltmp1:
0x5f: {  	_ = 	snop;
	(pc) =	sbr.rel @p0 .LBB2_4-.Ltmp1, $2  }
0x60: {  	_ =	sdelay $0x2  }
0x61: {  	s14 =	sadd.s32 $0x80, s14;
	s15 =	sadd.s32 $0x80, s15;
	[tilespmem:v1+s2+$0x0] =	vst.idx.add.f32.msk $0xffff, v2  }
0x62: {  	[tilespmem:s9], [sflag:$0x1] =	stream.linear.gather [hbm4b:s5+s2], $0x2000, $0x38;
	[tilespmem:$0x1C700] =	vst v63  }
0x63: {  	_ =	swait.ge [sflag:s10], $0x2000  }
0x64: {  	[sflag:s10] =	ssyncset.done $0x0  }
0x65: {  	[sflag:s10] =	ssyncadd.s32 $0xFFFFE000  }
0x66: {  	[tilespmem:s11], [sflag:$0x1] =	stream.linear.gather [hbm4b:s6+s2], $0x2000, $0x38;
	[tilespmem:$0x1C700] =	vst v63  }
0x67: {  	_ =	swait.ge [sflag:s10], $0x2000  }
0x68: {  	s13 =	simm.s32 $0xFFFFFFF8;
	[sflag:s10] =	ssyncset.done $0x0  }
0x69: {  	s14 =	simm.s32 $0x18740;
	s15 =	simm.s32 $0x1A740;
	[sflag:s10] =	ssyncadd.s32 $0xFFFFE000  }
.LBB2_6:
0x6a: {  	v1 =	vld [tilespmem:s14+$0xFFFFFFC0];
	_ =	sdelay $0x2  }
0x6b: {  	v2 =	vld [tilespmem:s15+$0xFFFFFFC0];
	_ =	sdelay $0x4  }
0x6c: {  	[tilespmem:v1+s2+$0x0] =	vst.idx.add.f32.msk $0xffff, v2  }
0x6d: {  	v1 =	vld [tilespmem:s14+$0xFFFFFFD0];
	_ =	sdelay $0x2  }
0x6e: {  	v2 =	vld [tilespmem:s15+$0xFFFFFFD0];
	_ =	sdelay $0x4  }
0x6f: {  	[tilespmem:v1+s2+$0x0] =	vst.idx.add.f32.msk $0xffff, v2  }
0x70: {  	v1 =	vld [tilespmem:s14+$0xFFFFFFE0];
	_ =	sdelay $0x2  }
0x71: {  	v2 =	vld [tilespmem:s15+$0xFFFFFFE0];
	_ =	sdelay $0x4  }
0x72: {  	[tilespmem:v1+s2+$0x0] =	vst.idx.add.f32.msk $0xffff, v2  }
0x73: {  	v1 =	vld [tilespmem:s14+$0xFFFFFFF0];
	_ =	sdelay $0x2  }
0x74: {  	v2 =	vld [tilespmem:s15+$0xFFFFFFF0];
	_ =	sdelay $0x4  }
0x75: {  	[tilespmem:v1+s2+$0x0] =	vst.idx.add.f32.msk $0xffff, v2  }
0x76: {  	v1 =	vld [tilespmem:s14+$0x0];
	_ =	sdelay $0x2  }
0x77: {  	v2 =	vld [tilespmem:s15+$0x0];
	_ =	sdelay $0x4  }
0x78: {  	[tilespmem:v1+s2+$0x0] =	vst.idx.add.f32.msk $0xffff, v2  }
0x79: {  	v1 =	vld [tilespmem:s14+$0x10];
	_ =	sdelay $0x2  }
0x7a: {  	v2 =	vld [tilespmem:s15+$0x10];
	_ =	sdelay $0x4  }
0x7b: {  	[tilespmem:v1+s2+$0x0] =	vst.idx.add.f32.msk $0xffff, v2  }
0x7c: {  	v1 =	vld [tilespmem:s14+$0x20];
	_ =	sdelay $0x2  }
0x7d: {  	v2 =	vld [tilespmem:s15+$0x20];
	_ =	sdelay $0x4  }
0x7e: {  	[tilespmem:v1+s2+$0x0] =	vst.idx.add.f32.msk $0xffff, v2  }
0x7f: {  	v1 =	vld [tilespmem:s14+$0x30];
	_ =	sdelay $0x1  }
0x80: {  	s13 =	sadd.s32 $0x8, s13  }
0x81: {  	p0 =	slt.u32 s13, $0x1F8;
	v2 =	vld [tilespmem:s15+$0x30]  }
.Ltmp2:
0x82: {  	_ = 	snop;
	(pc) =	sbr.rel @p0 .LBB2_6-.Ltmp2, $2  }
0x83: {  	_ =	sdelay $0x2  }
0x84: {  	s14 =	sadd.s32 $0x80, s14;
	s15 =	sadd.s32 $0x80, s15;
	[tilespmem:v1+s2+$0x0] =	vst.idx.add.f32.msk $0xffff, v2  }
0x85: {  	s12 =	sadd.s32 $0x1, s12  }
0x86: {  	p0 =	sne.s32 s12, s8  }
.Ltmp3:
0x87: {  	_ = 	snop;
	(pc) =	sbr.rel @p0 .LBB2_1-.Ltmp3, $4  }
0x88: {  	[hbm4b:s7+s2] =	stream.linear.scatter [tilespmem:s2], [sflag:$0x1], $0x186A0, $0x38;
	[tilespmem:$0x1C700] =	vst v63  }
0x89: {  	_ =	swait.ge [sflag:s10], $0x186A0  }
0x8a: {  	[sflag:s10] =	ssyncset.done $0x0  }
0x8b: {  	[sflag:s10] =	ssyncadd.s32 $0xFFFE7960  }
0x8c: {  	_ =	sfence.sel $0x180000  }
0x8d: {  	[bflag:$0x0] =	sbarrier.arrive $0xFFFF  }
0x8e: {  	p0 =	sne.s32 s1, $0x0;
	_ =	strace $0x9000004A  }
0x8f: {  	s0 =	sadd.s32 @!p0 $0x100000, s0;
	[bflag:$0x2] =	sbarrier.arrive $0xFFFF  }
0x90: {  	[sflag:s0] =	ssyncadd.tile.s32 @!p0 $0x1;
	_ =	shalt  }
.Lfunc_end2:
_tile_overlayer_lowered:
.L_overlay_start_2:
0x91: {  	(tag) =	ssettag $0x2  }
0x92: {  	s0 =	rddreg [dreg:$0x0];
	s2 =	stileid.u32  }
0x93: {  	s1 =	rddreg [dreg:$0x1];
	p0 =	sne.s32 s2, $0x0  }
0x94: {  	s3 =	rddreg [dreg:$0x2];
	[bflag:$0x3] =	sbarrier.arrive $0xFFFF;
	s2 =	simm.s32 @!p0 $0x1C01  }
0x95: {  	[timem:s3], [sflag:s2] =	dma.local @!p0 [hbm:s0], s1  }
0x96: {  	s0 =	simm.s32 @!p0 $0x1  }
0x97: {  	_ =	swait.ge @!p0 [sflag:s0], s1  }
0x98: {  	s1 =	ssub.s32 @!p0 $0x0, s1;
	[sflag:s0] =	ssyncset.done @!p0 $0x0  }
0x99: {  	[sflag:s0] =	ssyncadd.s32 @!p0 s1  }
0x9a: {  	[bflag:$0x3] =	sbarrier.arrive $0xFFFF  }
0x9b: {  	_ =	shalt  }

</sc_bundles>
